<compile_context>
chip_gen: v7x
topology: tpu7x:2x2x1
jax: 0.10.2.dev20260603
libtpu: 0.0.44.dev20260713+nightly
codegen_flags: <defaults>
</compile_context>

<pallas_src>
import functools

import jax
import jax.numpy as jnp
from jax import lax
from jax.experimental import pallas as pl
from jax.experimental.pallas import tpu as pltpu
from jax.experimental.pallas import tpu_sc as plsc

_L = 16


def _build_sc_call(batch, height, width, num_feats):
    hw = height * width
    two_d = 2 * num_feats
    n_workers = 32
    chans_per_w = two_d // n_workers

    mesh = plsc.VectorSubcoreMesh(core_axis_name="c", subcore_axis_name="s")

    @functools.partial(
        pl.kernel,
        mesh=mesh,
        out_type=jax.ShapeDtypeStruct((batch, two_d, height, width), jnp.float32),
        scratch_types=[
            pltpu.VMEM((width * num_feats,), jnp.float32),
            pltpu.VMEM((height * num_feats,), jnp.float32),
            pltpu.VMEM((chans_per_w, height, width), jnp.float32),
            pltpu.SemaphoreType.DMA,
        ],
        compiler_params=pltpu.CompilerParams(
            needs_layout_passes=False,
            skip_device_barrier=True,
            disable_bounds_checks=True,
            disable_semaphore_checks=True,
        ),
    )
    def _k(row_hbm, col_hbm, out_hbm, colv, rowv, blk, sem):
        wid = lax.axis_index("s") * 2 + lax.axis_index("c")
        is_col = wid < (n_workers // 2)

        pltpu.sync_copy(col_hbm.at[pl.ds(0, width * num_feats)], colv)
        pltpu.sync_copy(row_hbm.at[pl.ds(0, height * num_feats)], rowv)

        iot = lax.iota(jnp.int32, _L)
        zeros = jnp.zeros((_L,), jnp.int32)

        @pl.when(is_col)
        def _():
            for c in range(chans_per_w):
                cvec = zeros + (wid * chans_per_w + c)
                v0 = plsc.load_gather(colv, [iot * num_feats + cvec])
                v1 = plsc.load_gather(colv, [(iot + _L) * num_feats + cvec])

                def body(h, _, c=c, v0=v0, v1=v1):
                    blk[c, h, pl.ds(0, _L)] = v0
                    blk[c, h, pl.ds(_L, _L)] = v1
                    return 0

                lax.fori_loop(0, height, body, 0)

        @pl.when(jnp.logical_not(is_col))
        def _():
            for c in range(chans_per_w):
                cvec = zeros + (wid * chans_per_w + c - num_feats)

                def body(h, _, c=c, cvec=cvec):
                    v = plsc.load_gather(rowv, [h * num_feats + cvec])
                    blk[c, h, pl.ds(0, _L)] = v
                    blk[c, h, pl.ds(_L, _L)] = v
                    return 0

                lax.fori_loop(0, height, body, 0)

        copies = []
        for b in range(batch):
            copies.append(
                pltpu.async_copy(
                    blk,
                    out_hbm.at[b, pl.ds(wid * chans_per_w, chans_per_w)],
                    sem,
                )
            )
        for cp in copies:
            cp.wait()

    return _k


def kernel(pixel_values, pixel_mask, row_embed, col_embed):
    batch = pixel_values.shape[0]
    height, width = pixel_values.shape[-2:]
    num_feats = row_embed.shape[1]
    call = _build_sc_call(batch, height, width, num_feats)
    return call(row_embed.reshape(-1), col_embed.reshape(-1))

# --- scband reference (transcript-rebuilt; emitter-appended) ---
"""Pipeline reference for scband-dino-detr-learned-position-embedding-16080357556425 (READ-ONLY COPY).

The authoritative reference and input builder live on the scoring server;
editing this copy changes nothing except your own understanding.
"""

import jax, jax.numpy as jnp
import numpy as np

NUM_POS_FEATS = 256

def setup_inputs(seed: int = 0) -> dict:
    key = jax.random.key(seed)
    k1, k2, k3 = jax.random.split(key, 3)
    pixel_values = jax.random.normal(k1, (8, 256, 32, 32), dtype=jnp.float32)
    pixel_mask = jnp.ones((8, 32, 32), dtype=jnp.int64)
    row_embed = jax.random.uniform(k2, (50, NUM_POS_FEATS), dtype=jnp.float32)
    col_embed = jax.random.uniform(k3, (50, NUM_POS_FEATS), dtype=jnp.float32)
    return {"pixel_values": pixel_values, "pixel_mask": pixel_mask, "row_embed": row_embed, "col_embed": col_embed}

def reference(pixel_values, pixel_mask, row_embed, col_embed):
    batch = pixel_values.shape[0]
    height, width = pixel_values.shape[-2:]
    width_indices = jnp.arange(width)
    height_indices = jnp.arange(height)
    x_embeddings = jnp.take(col_embed, width_indices, axis=0)   # [W, D]
    y_embeddings = jnp.take(row_embed, height_indices, axis=0)  # [H, D]
    x_part = jnp.tile(x_embeddings[None, :, :], (height, 1, 1))   # [H, W, D]
    y_part = jnp.tile(y_embeddings[:, None, :], (1, width, 1))    # [H, W, D]
    position_embeddings = jnp.concatenate([x_part, y_part], axis=-1)  # [H, W, 2D]
    position_embeddings = jnp.transpose(position_embeddings, (2, 0, 1))  # [2D, H, W]
    position_embeddings = jnp.tile(position_embeddings[None, :, :, :], (batch, 1, 1, 1))
    return position_embeddings

if __name__ == "__main__":
    import jax
    _d = setup_inputs()
    print(jax.jit(kernel)(*tuple(_d.values())))

</pallas_src>

<mosaic_0001>
#map = affine_map<(d0, d1) -> (0)>
#map1 = affine_map<(d0, d1) -> (0, 0, 0, 0)>
module attributes {stable_mosaic.version = 14 : i64} {
  func.func @_k(%arg0: i32, %arg1: i32, %arg2: memref<12800xf32, #tpu.memory_space<hbm>>, %arg3: memref<12800xf32, #tpu.memory_space<hbm>>, %arg4: memref<8x512x32x32xf32, #tpu.memory_space<hbm>>, %arg5: memref<8192xf32, #tpu.memory_space<vmem>>, %arg6: memref<8192xf32, #tpu.memory_space<vmem>>, %arg7: memref<16x32x32xf32, #tpu.memory_space<vmem>>, %arg8: memref<!tpu.dma_semaphore, #tpu.memory_space<semaphore_mem>>) attributes {dimension_semantics = [#tpu.dimension_semantics<core_parallel>, #tpu.dimension_semantics<subcore_parallel>], iteration_bounds = array<i64: 2, 16>, scalar_prefetch = 0 : i64, scratch_operands = 4 : i64, tpu.core_type = #tpu.core_type<sc_vector_subcore>, window_params = [{transform_indices = #map}, {transform_indices = #map}, {transform_indices = #map1}]} {
    %mul3A = arith.constant 2 : i32
    %mul3A_0 = arith.muli %arg1, %mul3A : i32
    %add3A = arith.addi %mul3A_0, %arg0 : i32
    %lt3A = arith.constant 16 : i32
    %lt3A_1 = arith.cmpi slt, %add3A, %lt3A : i32
    "tpu.region"() ({
      %run_scoped3A = tpu.sem_alloc : memref<!tpu.dma_semaphore, #tpu.memory_space<semaphore_mem>>
      %dma_start3A_166 = arith.constant 0 : i32
      %dma_start3A_167 = tpu.memref_slice %arg3[%dma_start3A_166] : memref<12800xf32, #tpu.memory_space<hbm>> -> memref<8192xf32, #tpu.memory_space<hbm>>
      %dma_start3A_168 = arith.constant 0 : i32
      %dma_start3A_169 = tpu.memref_slice %arg3[%dma_start3A_168] : memref<12800xf32, #tpu.memory_space<hbm>> -> memref<8192xf32, #tpu.memory_space<hbm>>
      tpu.enqueue_dma source(%dma_start3A_169 : memref<8192xf32, #tpu.memory_space<hbm>>) target(%arg5 : memref<8192xf32, #tpu.memory_space<vmem>>) target_semaphore(%run_scoped3A : memref<!tpu.dma_semaphore, #tpu.memory_space<semaphore_mem>>)
      %dma_wait3A_170 = arith.constant 0 : i32
      %dma_wait3A_171 = tpu.memref_slice %arg3[%dma_wait3A_170] : memref<12800xf32, #tpu.memory_space<hbm>> -> memref<8192xf32, #tpu.memory_space<hbm>>
      %dma_wait3A_172 = arith.constant 0 : i32
      %dma_wait3A_173 = tpu.memref_slice %arg3[%dma_wait3A_172] : memref<12800xf32, #tpu.memory_space<hbm>> -> memref<8192xf32, #tpu.memory_space<hbm>>
      tpu.wait_dma2 semaphore(%run_scoped3A : memref<!tpu.dma_semaphore, #tpu.memory_space<semaphore_mem>>) src(%dma_wait3A_173 : memref<8192xf32, #tpu.memory_space<hbm>>) dst(%arg5 : memref<8192xf32, #tpu.memory_space<vmem>>)
      tpu.yield
    }) : () -> ()
    "tpu.region"() ({
      %run_scoped3A = tpu.sem_alloc : memref<!tpu.dma_semaphore, #tpu.memory_space<semaphore_mem>>
      %dma_start3A_166 = arith.constant 0 : i32
      %dma_start3A_167 = tpu.memref_slice %arg2[%dma_start3A_166] : memref<12800xf32, #tpu.memory_space<hbm>> -> memref<8192xf32, #tpu.memory_space<hbm>>
      %dma_start3A_168 = arith.constant 0 : i32
      %dma_start3A_169 = tpu.memref_slice %arg2[%dma_start3A_168] : memref<12800xf32, #tpu.memory_space<hbm>> -> memref<8192xf32, #tpu.memory_space<hbm>>
      tpu.enqueue_dma source(%dma_start3A_169 : memref<8192xf32, #tpu.memory_space<hbm>>) target(%arg6 : memref<8192xf32, #tpu.memory_space<vmem>>) target_semaphore(%run_scoped3A : memref<!tpu.dma_semaphore, #tpu.memory_space<semaphore_mem>>)
      %dma_wait3A_170 = arith.constant 0 : i32
      %dma_wait3A_171 = tpu.memref_slice %arg2[%dma_wait3A_170] : memref<12800xf32, #tpu.memory_space<hbm>> -> memref<8192xf32, #tpu.memory_space<hbm>>
      %dma_wait3A_172 = arith.constant 0 : i32
      %dma_wait3A_173 = tpu.memref_slice %arg2[%dma_wait3A_172] : memref<12800xf32, #tpu.memory_space<hbm>> -> memref<8192xf32, #tpu.memory_space<hbm>>
      tpu.wait_dma2 semaphore(%run_scoped3A : memref<!tpu.dma_semaphore, #tpu.memory_space<semaphore_mem>>) src(%dma_wait3A_173 : memref<8192xf32, #tpu.memory_space<hbm>>) dst(%arg6 : memref<8192xf32, #tpu.memory_space<vmem>>)
      tpu.yield
    }) : () -> ()
    %iota3A = tpu.iota {dimensions = array<i32: 0>} : vector<16xi32>
    %broadcast_in_dim3A = arith.constant 0 : i32
    %broadcast_in_dim3A_2 = vector.broadcast %broadcast_in_dim3A : i32 to vector<16xi32>
    %convert_element_type3A = arith.extui %lt3A_1 : i1 to i32
    %cond3A = arith.constant 0 : i32
    %cond3A_3 = arith.cmpi ne, %convert_element_type3A, %cond3A : i32
    scf.if %cond3A_3 {
      %mul3A_166 = arith.constant 16 : i32
      %mul3A_167 = arith.muli %add3A, %mul3A_166 : i32
      %add3A_168 = arith.constant 0 : i32
      %add3A_169 = arith.addi %mul3A_167, %add3A_168 : i32
      %add3A_170 = vector.broadcast %add3A_169 : i32 to vector<16xi32>
      %add3A_171 = arith.addi %broadcast_in_dim3A_2, %add3A_170 : vector<16xi32>
      %mul3A_172 = arith.constant 256 : i32
      %mul3A_173 = vector.broadcast %mul3A_172 : i32 to vector<16xi32>
      %mul3A_174 = arith.muli %iota3A, %mul3A_173 : vector<16xi32>
      %add3A_175 = arith.addi %mul3A_174, %add3A_171 : vector<16xi32>
      %gather3A = tpu.vector_load_idx %arg5[%add3A_175] : memref<8192xf32, #tpu.memory_space<vmem>>[vector<16xi32>], vector<16xf32>,
      %add3A_176 = arith.constant 16 : i32
      %add3A_177 = vector.broadcast %add3A_176 : i32 to vector<16xi32>
      %add3A_178 = arith.addi %iota3A, %add3A_177 : vector<16xi32>
      %mul3A_179 = arith.constant 256 : i32
      %mul3A_180 = vector.broadcast %mul3A_179 : i32 to vector<16xi32>
      %mul3A_181 = arith.muli %add3A_178, %mul3A_180 : vector<16xi32>
      %add3A_182 = arith.addi %mul3A_181, %add3A_171 : vector<16xi32>
      %gather3A_183 = tpu.vector_load_idx %arg5[%add3A_182] : memref<8192xf32, #tpu.memory_space<vmem>>[vector<16xi32>], vector<16xf32>,
      %scan3A = arith.constant 0 : i32
      %scan3A_184 = arith.constant 0 : i32
      %scan3A_185 = arith.constant 32 : i32
      %scan3A_186 = arith.addi %scan3A_184, %scan3A_185 : i32
      %scan3A_187 = arith.constant 1 : i32
      %scan3A_188 = scf.for %scan3A_580 = %scan3A_184 to %scan3A_186 step %scan3A_187 iter_args(%scan3A_581 = %scan3A) -> (i32)  : i32 {
        %swap3A = arith.constant 0 : i32
        %swap3A_582 = arith.index_cast %swap3A : i32 to index
        %swap3A_583 = arith.index_cast %scan3A_580 : i32 to index
        %swap3A_584 = arith.constant 0 : index
        %swap3A_585 = tpu.vector_load %arg7[%swap3A_582, %swap3A_583, %swap3A_584] {strides = array<i32>} : memref<16x32x32xf32, #tpu.memory_space<vmem>>, vector<16xf32>,
        tpu.vector_store %arg7[%swap3A_582, %swap3A_583, %swap3A_584], %gather3A {strides = array<i32>} : memref<16x32x32xf32, #tpu.memory_space<vmem>>, vector<16xf32>,
        %swap3A_586 = arith.constant 0 : i32
        %swap3A_587 = arith.index_cast %swap3A_586 : i32 to index
        %swap3A_588 = arith.index_cast %scan3A_580 : i32 to index
        %swap3A_589 = arith.constant 16 : index
        %swap3A_590 = tpu.vector_load %arg7[%swap3A_587, %swap3A_588, %swap3A_589] {strides = array<i32>} : memref<16x32x32xf32, #tpu.memory_space<vmem>>, vector<16xf32>,
        tpu.vector_store %arg7[%swap3A_587, %swap3A_588, %swap3A_589], %gather3A_183 {strides = array<i32>} : memref<16x32x32xf32, #tpu.memory_space<vmem>>, vector<16xf32>,
        %scan3A_591 = arith.constant 0 : i32
        scf.yield %scan3A_591 : i32
      }
      %scan3A_189 = arith.constant 32 : i32
      %mul3A_190 = arith.constant 16 : i32
      %mul3A_191 = arith.muli %add3A, %mul3A_190 : i32
      %add3A_192 = arith.constant 1 : i32
      %add3A_193 = arith.addi %mul3A_191, %add3A_192 : i32
      %add3A_194 = vector.broadcast %add3A_193 : i32 to vector<16xi32>
      %add3A_195 = arith.addi %broadcast_in_dim3A_2, %add3A_194 : vector<16xi32>
      %mul3A_196 = arith.constant 256 : i32
      %mul3A_197 = vector.broadcast %mul3A_196 : i32 to vector<16xi32>
      %mul3A_198 = arith.muli %iota3A, %mul3A_197 : vector<16xi32>
      %add3A_199 = arith.addi %mul3A_198, %add3A_195 : vector<16xi32>
      %gather3A_200 = tpu.vector_load_idx %arg5[%add3A_199] : memref<8192xf32, #tpu.memory_space<vmem>>[vector<16xi32>], vector<16xf32>,
      %add3A_201 = arith.constant 16 : i32
      %add3A_202 = vector.broadcast %add3A_201 : i32 to vector<16xi32>
      %add3A_203 = arith.addi %iota3A, %add3A_202 : vector<16xi32>
      %mul3A_204 = arith.constant 256 : i32
      %mul3A_205 = vector.broadcast %mul3A_204 : i32 to vector<16xi32>
      %mul3A_206 = arith.muli %add3A_203, %mul3A_205 : vector<16xi32>
      %add3A_207 = arith.addi %mul3A_206, %add3A_195 : vector<16xi32>
      %gather3A_208 = tpu.vector_load_idx %arg5[%add3A_207] : memref<8192xf32, #tpu.memory_space<vmem>>[vector<16xi32>], vector<16xf32>,
      %scan3A_209 = arith.constant 0 : i32
      %scan3A_210 = arith.constant 0 : i32
      %scan3A_211 = arith.constant 32 : i32
      %scan3A_212 = arith.addi %scan3A_210, %scan3A_211 : i32
      %scan3A_213 = arith.constant 1 : i32
      %scan3A_214 = scf.for %scan3A_580 = %scan3A_210 to %scan3A_212 step %scan3A_213 iter_args(%scan3A_581 = %scan3A_209) -> (i32)  : i32 {
        %swap3A = arith.constant 1 : i32
        %swap3A_582 = arith.index_cast %swap3A : i32 to index
        %swap3A_583 = arith.index_cast %scan3A_580 : i32 to index
        %swap3A_584 = arith.constant 0 : index
        %swap3A_585 = tpu.vector_load %arg7[%swap3A_582, %swap3A_583, %swap3A_584] {strides = array<i32>} : memref<16x32x32xf32, #tpu.memory_space<vmem>>, vector<16xf32>,
        tpu.vector_store %arg7[%swap3A_582, %swap3A_583, %swap3A_584], %gather3A_200 {strides = array<i32>} : memref<16x32x32xf32, #tpu.memory_space<vmem>>, vector<16xf32>,
        %swap3A_586 = arith.constant 1 : i32
        %swap3A_587 = arith.index_cast %swap3A_586 : i32 to index
        %swap3A_588 = arith.index_cast %scan3A_580 : i32 to index
        %swap3A_589 = arith.constant 16 : index
        %swap3A_590 = tpu.vector_load %arg7[%swap3A_587, %swap3A_588, %swap3A_589] {strides = array<i32>} : memref<16x32x32xf32, #tpu.memory_space<vmem>>, vector<16xf32>,
        tpu.vector_store %arg7[%swap3A_587, %swap3A_588, %swap3A_589], %gather3A_208 {strides = array<i32>} : memref<16x32x32xf32, #tpu.memory_space<vmem>>, vector<16xf32>,
        %scan3A_591 = arith.constant 0 : i32
        scf.yield %scan3A_591 : i32
      }
      %scan3A_215 = arith.constant 32 : i32
      %mul3A_216 = arith.constant 16 : i32
      %mul3A_217 = arith.muli %add3A, %mul3A_216 : i32
      %add3A_218 = arith.constant 2 : i32
      %add3A_219 = arith.addi %mul3A_217, %add3A_218 : i32
      %add3A_220 = vector.broadcast %add3A_219 : i32 to vector<16xi32>
      %add3A_221 = arith.addi %broadcast_in_dim3A_2, %add3A_220 : vector<16xi32>
      %mul3A_222 = arith.constant 256 : i32
      %mul3A_223 = vector.broadcast %mul3A_222 : i32 to vector<16xi32>
      %mul3A_224 = arith.muli %iota3A, %mul3A_223 : vector<16xi32>
      %add3A_225 = arith.addi %mul3A_224, %add3A_221 : vector<16xi32>
      %gather3A_226 = tpu.vector_load_idx %arg5[%add3A_225] : memref<8192xf32, #tpu.memory_space<vmem>>[vector<16xi32>], vector<16xf32>,
      %add3A_227 = arith.constant 16 : i32
      %add3A_228 = vector.broadcast %add3A_227 : i32 to vector<16xi32>
      %add3A_229 = arith.addi %iota3A, %add3A_228 : vector<16xi32>
      %mul3A_230 = arith.constant 256 : i32
      %mul3A_231 = vector.broadcast %mul3A_230 : i32 to vector<16xi32>
      %mul3A_232 = arith.muli %add3A_229, %mul3A_231 : vector<16xi32>
      %add3A_233 = arith.addi %mul3A_232, %add3A_221 : vector<16xi32>
      %gather3A_234 = tpu.vector_load_idx %arg5[%add3A_233] : memref<8192xf32, #tpu.memory_space<vmem>>[vector<16xi32>], vector<16xf32>,
      %scan3A_235 = arith.constant 0 : i32
      %scan3A_236 = arith.constant 0 : i32
      %scan3A_237 = arith.constant 32 : i32
      %scan3A_238 = arith.addi %scan3A_236, %scan3A_237 : i32
      %scan3A_239 = arith.constant 1 : i32
      %scan3A_240 = scf.for %scan3A_580 = %scan3A_236 to %scan3A_238 step %scan3A_239 iter_args(%scan3A_581 = %scan3A_235) -> (i32)  : i32 {
        %swap3A = arith.constant 2 : i32
        %swap3A_582 = arith.index_cast %swap3A : i32 to index
        %swap3A_583 = arith.index_cast %scan3A_580 : i32 to index
        %swap3A_584 = arith.constant 0 : index
        %swap3A_585 = tpu.vector_load %arg7[%swap3A_582, %swap3A_583, %swap3A_584] {strides = array<i32>} : memref<16x32x32xf32, #tpu.memory_space<vmem>>, vector<16xf32>,
        tpu.vector_store %arg7[%swap3A_582, %swap3A_583, %swap3A_584], %gather3A_226 {strides = array<i32>} : memref<16x32x32xf32, #tpu.memory_space<vmem>>, vector<16xf32>,
        %swap3A_586 = arith.constant 2 : i32
        %swap3A_587 = arith.index_cast %swap3A_586 : i32 to index
        %swap3A_588 = arith.index_cast %scan3A_580 : i32 to index
        %swap3A_589 = arith.constant 16 : index
        %swap3A_590 = tpu.vector_load %arg7[%swap3A_587, %swap3A_588, %swap3A_589] {strides = array<i32>} : memref<16x32x32xf32, #tpu.memory_space<vmem>>, vector<16xf32>,
        tpu.vector_store %arg7[%swap3A_587, %swap3A_588, %swap3A_589], %gather3A_234 {strides = array<i32>} : memref<16x32x32xf32, #tpu.memory_space<vmem>>, vector<16xf32>,
        %scan3A_591 = arith.constant 0 : i32
        scf.yield %scan3A_591 : i32
      }
      %scan3A_241 = arith.constant 32 : i32
      %mul3A_242 = arith.constant 16 : i32
      %mul3A_243 = arith.muli %add3A, %mul3A_242 : i32
      %add3A_244 = arith.constant 3 : i32
      %add3A_245 = arith.addi %mul3A_243, %add3A_244 : i32
      %add3A_246 = vector.broadcast %add3A_245 : i32 to vector<16xi32>
      %add3A_247 = arith.addi %broadcast_in_dim3A_2, %add3A_246 : vector<16xi32>
      %mul3A_248 = arith.constant 256 : i32
      %mul3A_249 = vector.broadcast %mul3A_248 : i32 to vector<16xi32>
      %mul3A_250 = arith.muli %iota3A, %mul3A_249 : vector<16xi32>
      %add3A_251 = arith.addi %mul3A_250, %add3A_247 : vector<16xi32>
      %gather3A_252 = tpu.vector_load_idx %arg5[%add3A_251] : memref<8192xf32, #tpu.memory_space<vmem>>[vector<16xi32>], vector<16xf32>,
      %add3A_253 = arith.constant 16 : i32
      %add3A_254 = vector.broadcast %add3A_253 : i32 to vector<16xi32>
      %add3A_255 = arith.addi %iota3A, %add3A_254 : vector<16xi32>
      %mul3A_256 = arith.constant 256 : i32
      %mul3A_257 = vector.broadcast %mul3A_256 : i32 to vector<16xi32>
      %mul3A_258 = arith.muli %add3A_255, %mul3A_257 : vector<16xi32>
      %add3A_259 = arith.addi %mul3A_258, %add3A_247 : vector<16xi32>
      %gather3A_260 = tpu.vector_load_idx %arg5[%add3A_259] : memref<8192xf32, #tpu.memory_space<vmem>>[vector<16xi32>], vector<16xf32>,
      %scan3A_261 = arith.constant 0 : i32
      %scan3A_262 = arith.constant 0 : i32
      %scan3A_263 = arith.constant 32 : i32
      %scan3A_264 = arith.addi %scan3A_262, %scan3A_263 : i32
      %scan3A_265 = arith.constant 1 : i32
      %scan3A_266 = scf.for %scan3A_580 = %scan3A_262 to %scan3A_264 step %scan3A_265 iter_args(%scan3A_581 = %scan3A_261) -> (i32)  : i32 {
        %swap3A = arith.constant 3 : i32
        %swap3A_582 = arith.index_cast %swap3A : i32 to index
        %swap3A_583 = arith.index_cast %scan3A_580 : i32 to index
        %swap3A_584 = arith.constant 0 : index
        %swap3A_585 = tpu.vector_load %arg7[%swap3A_582, %swap3A_583, %swap3A_584] {strides = array<i32>} : memref<16x32x32xf32, #tpu.memory_space<vmem>>, vector<16xf32>,
        tpu.vector_store %arg7[%swap3A_582, %swap3A_583, %swap3A_584], %gather3A_252 {strides = array<i32>} : memref<16x32x32xf32, #tpu.memory_space<vmem>>, vector<16xf32>,
        %swap3A_586 = arith.constant 3 : i32
        %swap3A_587 = arith.index_cast %swap3A_586 : i32 to index
        %swap3A_588 = arith.index_cast %scan3A_580 : i32 to index
        %swap3A_589 = arith.constant 16 : index
        %swap3A_590 = tpu.vector_load %arg7[%swap3A_587, %swap3A_588, %swap3A_589] {strides = array<i32>} : memref<16x32x32xf32, #tpu.memory_space<vmem>>, vector<16xf32>,
        tpu.vector_store %arg7[%swap3A_587, %swap3A_588, %swap3A_589], %gather3A_260 {strides = array<i32>} : memref<16x32x32xf32, #tpu.memory_space<vmem>>, vector<16xf32>,
        %scan3A_591 = arith.constant 0 : i32
        scf.yield %scan3A_591 : i32
      }
      %scan3A_267 = arith.constant 32 : i32
      %mul3A_268 = arith.constant 16 : i32
      %mul3A_269 = arith.muli %add3A, %mul3A_268 : i32
      %add3A_270 = arith.constant 4 : i32
      %add3A_271 = arith.addi %mul3A_269, %add3A_270 : i32
      %add3A_272 = vector.broadcast %add3A_271 : i32 to vector<16xi32>
      %add3A_273 = arith.addi %broadcast_in_dim3A_2, %add3A_272 : vector<16xi32>
      %mul3A_274 = arith.constant 256 : i32
      %mul3A_275 = vector.broadcast %mul3A_274 : i32 to vector<16xi32>
      %mul3A_276 = arith.muli %iota3A, %mul3A_275 : vector<16xi32>
      %add3A_277 = arith.addi %mul3A_276, %add3A_273 : vector<16xi32>
      %gather3A_278 = tpu.vector_load_idx %arg5[%add3A_277] : memref<8192xf32, #tpu.memory_space<vmem>>[vector<16xi32>], vector<16xf32>,
      %add3A_279 = arith.constant 16 : i32
      %add3A_280 = vector.broadcast %add3A_279 : i32 to vector<16xi32>
      %add3A_281 = arith.addi %iota3A, %add3A_280 : vector<16xi32>
      %mul3A_282 = arith.constant 256 : i32
      %mul3A_283 = vector.broadcast %mul3A_282 : i32 to vector<16xi32>
      %mul3A_284 = arith.muli %add3A_281, %mul3A_283 : vector<16xi32>
      %add3A_285 = arith.addi %mul3A_284, %add3A_273 : vector<16xi32>
      %gather3A_286 = tpu.vector_load_idx %arg5[%add3A_285] : memref<8192xf32, #tpu.memory_space<vmem>>[vector<16xi32>], vector<16xf32>,
      %scan3A_287 = arith.constant 0 : i32
      %scan3A_288 = arith.constant 0 : i32
      %scan3A_289 = arith.constant 32 : i32
      %scan3A_290 = arith.addi %scan3A_288, %scan3A_289 : i32
      %scan3A_291 = arith.constant 1 : i32
      %scan3A_292 = scf.for %scan3A_580 = %scan3A_288 to %scan3A_290 step %scan3A_291 iter_args(%scan3A_581 = %scan3A_287) -> (i32)  : i32 {
        %swap3A = arith.constant 4 : i32
        %swap3A_582 = arith.index_cast %swap3A : i32 to index
        %swap3A_583 = arith.index_cast %scan3A_580 : i32 to index
        %swap3A_584 = arith.constant 0 : index
        %swap3A_585 = tpu.vector_load %arg7[%swap3A_582, %swap3A_583, %swap3A_584] {strides = array<i32>} : memref<16x32x32xf32, #tpu.memory_space<vmem>>, vector<16xf32>,
        tpu.vector_store %arg7[%swap3A_582, %swap3A_583, %swap3A_584], %gather3A_278 {strides = array<i32>} : memref<16x32x32xf32, #tpu.memory_space<vmem>>, vector<16xf32>,
        %swap3A_586 = arith.constant 4 : i32
        %swap3A_587 = arith.index_cast %swap3A_586 : i32 to index
        %swap3A_588 = arith.index_cast %scan3A_580 : i32 to index
        %swap3A_589 = arith.constant 16 : index
        %swap3A_590 = tpu.vector_load %arg7[%swap3A_587, %swap3A_588, %swap3A_589] {strides = array<i32>} : memref<16x32x32xf32, #tpu.memory_space<vmem>>, vector<16xf32>,
        tpu.vector_store %arg7[%swap3A_587, %swap3A_588, %swap3A_589], %gather3A_286 {strides = array<i32>} : memref<16x32x32xf32, #tpu.memory_space<vmem>>, vector<16xf32>,
        %scan3A_591 = arith.constant 0 : i32
        scf.yield %scan3A_591 : i32
      }
      %scan3A_293 = arith.constant 32 : i32
      %mul3A_294 = arith.constant 16 : i32
      %mul3A_295 = arith.muli %add3A, %mul3A_294 : i32
      %add3A_296 = arith.constant 5 : i32
      %add3A_297 = arith.addi %mul3A_295, %add3A_296 : i32
      %add3A_298 = vector.broadcast %add3A_297 : i32 to vector<16xi32>
      %add3A_299 = arith.addi %broadcast_in_dim3A_2, %add3A_298 : vector<16xi32>
      %mul3A_300 = arith.constant 256 : i32
      %mul3A_301 = vector.broadcast %mul3A_300 : i32 to vector<16xi32>
      %mul3A_302 = arith.muli %iota3A, %mul3A_301 : vector<16xi32>
      %add3A_303 = arith.addi %mul3A_302, %add3A_299 : vector<16xi32>
      %gather3A_304 = tpu.vector_load_idx %arg5[%add3A_303] : memref<8192xf32, #tpu.memory_space<vmem>>[vector<16xi32>], vector<16xf32>,
      %add3A_305 = arith.constant 16 : i32
      %add3A_306 = vector.broadcast %add3A_305 : i32 to vector<16xi32>
      %add3A_307 = arith.addi %iota3A, %add3A_306 : vector<16xi32>
      %mul3A_308 = arith.constant 256 : i32
      %mul3A_309 = vector.broadcast %mul3A_308 : i32 to vector<16xi32>
      %mul3A_310 = arith.muli %add3A_307, %mul3A_309 : vector<16xi32>
      %add3A_311 = arith.addi %mul3A_310, %add3A_299 : vector<16xi32>
      %gather3A_312 = tpu.vector_load_idx %arg5[%add3A_311] : memref<8192xf32, #tpu.memory_space<vmem>>[vector<16xi32>], vector<16xf32>,
      %scan3A_313 = arith.constant 0 : i32
      %scan3A_314 = arith.constant 0 : i32
      %scan3A_315 = arith.constant 32 : i32
      %scan3A_316 = arith.addi %scan3A_314, %scan3A_315 : i32
      %scan3A_317 = arith.constant 1 : i32
      %scan3A_318 = scf.for %scan3A_580 = %scan3A_314 to %scan3A_316 step %scan3A_317 iter_args(%scan3A_581 = %scan3A_313) -> (i32)  : i32 {
        %swap3A = arith.constant 5 : i32
        %swap3A_582 = arith.index_cast %swap3A : i32 to index
        %swap3A_583 = arith.index_cast %scan3A_580 : i32 to index
        %swap3A_584 = arith.constant 0 : index
        %swap3A_585 = tpu.vector_load %arg7[%swap3A_582, %swap3A_583, %swap3A_584] {strides = array<i32>} : memref<16x32x32xf32, #tpu.memory_space<vmem>>, vector<16xf32>,
        tpu.vector_store %arg7[%swap3A_582, %swap3A_583, %swap3A_584], %gather3A_304 {strides = array<i32>} : memref<16x32x32xf32, #tpu.memory_space<vmem>>, vector<16xf32>,
        %swap3A_586 = arith.constant 5 : i32
        %swap3A_587 = arith.index_cast %swap3A_586 : i32 to index
        %swap3A_588 = arith.index_cast %scan3A_580 : i32 to index
        %swap3A_589 = arith.constant 16 : index
        %swap3A_590 = tpu.vector_load %arg7[%swap3A_587, %swap3A_588, %swap3A_589] {strides = array<i32>} : memref<16x32x32xf32, #tpu.memory_space<vmem>>, vector<16xf32>,
        tpu.vector_store %arg7[%swap3A_587, %swap3A_588, %swap3A_589], %gather3A_312 {strides = array<i32>} : memref<16x32x32xf32, #tpu.memory_space<vmem>>, vector<16xf32>,
        %scan3A_591 = arith.constant 0 : i32
        scf.yield %scan3A_591 : i32
      }
      %scan3A_319 = arith.constant 32 : i32
      %mul3A_320 = arith.constant 16 : i32
      %mul3A_321 = arith.muli %add3A, %mul3A_320 : i32
      %add3A_322 = arith.constant 6 : i32
      %add3A_323 = arith.addi %mul3A_321, %add3A_322 : i32
      %add3A_324 = vector.broadcast %add3A_323 : i32 to vector<16xi32>
      %add3A_325 = arith.addi %broadcast_in_dim3A_2, %add3A_324 : vector<16xi32>
      %mul3A_326 = arith.constant 256 : i32
      %mul3A_327 = vector.broadcast %mul3A_326 : i32 to vector<16xi32>
      %mul3A_328 = arith.muli %iota3A, %mul3A_327 : vector<16xi32>
      %add3A_329 = arith.addi %mul3A_328, %add3A_325 : vector<16xi32>
      %gather3A_330 = tpu.vector_load_idx %arg5[%add3A_329] : memref<8192xf32, #tpu.memory_space<vmem>>[vector<16xi32>], vector<16xf32>,
      %add3A_331 = arith.constant 16 : i32
      %add3A_332 = vector.broadcast %add3A_331 : i32 to vector<16xi32>
      %add3A_333 = arith.addi %iota3A, %add3A_332 : vector<16xi32>
      %mul3A_334 = arith.constant 256 : i32
      %mul3A_335 = vector.broadcast %mul3A_334 : i32 to vector<16xi32>
      %mul3A_336 = arith.muli %add3A_333, %mul3A_335 : vector<16xi32>
      %add3A_337 = arith.addi %mul3A_336, %add3A_325 : vector<16xi32>
      %gather3A_338 = tpu.vector_load_idx %arg5[%add3A_337] : memref<8192xf32, #tpu.memory_space<vmem>>[vector<16xi32>], vector<16xf32>,
      %scan3A_339 = arith.constant 0 : i32
      %scan3A_340 = arith.constant 0 : i32
      %scan3A_341 = arith.constant 32 : i32
      %scan3A_342 = arith.addi %scan3A_340, %scan3A_341 : i32
      %scan3A_343 = arith.constant 1 : i32
      %scan3A_344 = scf.for %scan3A_580 = %scan3A_340 to %scan3A_342 step %scan3A_343 iter_args(%scan3A_581 = %scan3A_339) -> (i32)  : i32 {
        %swap3A = arith.constant 6 : i32
        %swap3A_582 = arith.index_cast %swap3A : i32 to index
        %swap3A_583 = arith.index_cast %scan3A_580 : i32 to index
        %swap3A_584 = arith.constant 0 : index
        %swap3A_585 = tpu.vector_load %arg7[%swap3A_582, %swap3A_583, %swap3A_584] {strides = array<i32>} : memref<16x32x32xf32, #tpu.memory_space<vmem>>, vector<16xf32>,
        tpu.vector_store %arg7[%swap3A_582, %swap3A_583, %swap3A_584], %gather3A_330 {strides = array<i32>} : memref<16x32x32xf32, #tpu.memory_space<vmem>>, vector<16xf32>,
        %swap3A_586 = arith.constant 6 : i32
        %swap3A_587 = arith.index_cast %swap3A_586 : i32 to index
        %swap3A_588 = arith.index_cast %scan3A_580 : i32 to index
        %swap3A_589 = arith.constant 16 : index
        %swap3A_590 = tpu.vector_load %arg7[%swap3A_587, %swap3A_588, %swap3A_589] {strides = array<i32>} : memref<16x32x32xf32, #tpu.memory_space<vmem>>, vector<16xf32>,
        tpu.vector_store %arg7[%swap3A_587, %swap3A_588, %swap3A_589], %gather3A_338 {strides = array<i32>} : memref<16x32x32xf32, #tpu.memory_space<vmem>>, vector<16xf32>,
        %scan3A_591 = arith.constant 0 : i32
        scf.yield %scan3A_591 : i32
      }
      %scan3A_345 = arith.constant 32 : i32
      %mul3A_346 = arith.constant 16 : i32
      %mul3A_347 = arith.muli %add3A, %mul3A_346 : i32
      %add3A_348 = arith.constant 7 : i32
      %add3A_349 = arith.addi %mul3A_347, %add3A_348 : i32
      %add3A_350 = vector.broadcast %add3A_349 : i32 to vector<16xi32>
      %add3A_351 = arith.addi %broadcast_in_dim3A_2, %add3A_350 : vector<16xi32>
      %mul3A_352 = arith.constant 256 : i32
      %mul3A_353 = vector.broadcast %mul3A_352 : i32 to vector<16xi32>
      %mul3A_354 = arith.muli %iota3A, %mul3A_353 : vector<16xi32>
      %add3A_355 = arith.addi %mul3A_354, %add3A_351 : vector<16xi32>
      %gather3A_356 = tpu.vector_load_idx %arg5[%add3A_355] : memref<8192xf32, #tpu.memory_space<vmem>>[vector<16xi32>], vector<16xf32>,
      %add3A_357 = arith.constant 16 : i32
      %add3A_358 = vector.broadcast %add3A_357 : i32 to vector<16xi32>
      %add3A_359 = arith.addi %iota3A, %add3A_358 : vector<16xi32>
      %mul3A_360 = arith.constant 256 : i32
      %mul3A_361 = vector.broadcast %mul3A_360 : i32 to vector<16xi32>
      %mul3A_362 = arith.muli %add3A_359, %mul3A_361 : vector<16xi32>
      %add3A_363 = arith.addi %mul3A_362, %add3A_351 : vector<16xi32>
      %gather3A_364 = tpu.vector_load_idx %arg5[%add3A_363] : memref<8192xf32, #tpu.memory_space<vmem>>[vector<16xi32>], vector<16xf32>,
      %scan3A_365 = arith.constant 0 : i32
      %scan3A_366 = arith.constant 0 : i32
      %scan3A_367 = arith.constant 32 : i32
      %scan3A_368 = arith.addi %scan3A_366, %scan3A_367 : i32
      %scan3A_369 = arith.constant 1 : i32
      %scan3A_370 = scf.for %scan3A_580 = %scan3A_366 to %scan3A_368 step %scan3A_369 iter_args(%scan3A_581 = %scan3A_365) -> (i32)  : i32 {
        %swap3A = arith.constant 7 : i32
        %swap3A_582 = arith.index_cast %swap3A : i32 to index
        %swap3A_583 = arith.index_cast %scan3A_580 : i32 to index
        %swap3A_584 = arith.constant 0 : index
        %swap3A_585 = tpu.vector_load %arg7[%swap3A_582, %swap3A_583, %swap3A_584] {strides = array<i32>} : memref<16x32x32xf32, #tpu.memory_space<vmem>>, vector<16xf32>,
        tpu.vector_store %arg7[%swap3A_582, %swap3A_583, %swap3A_584], %gather3A_356 {strides = array<i32>} : memref<16x32x32xf32, #tpu.memory_space<vmem>>, vector<16xf32>,
        %swap3A_586 = arith.constant 7 : i32
        %swap3A_587 = arith.index_cast %swap3A_586 : i32 to index
        %swap3A_588 = arith.index_cast %scan3A_580 : i32 to index
        %swap3A_589 = arith.constant 16 : index
        %swap3A_590 = tpu.vector_load %arg7[%swap3A_587, %swap3A_588, %swap3A_589] {strides = array<i32>} : memref<16x32x32xf32, #tpu.memory_space<vmem>>, vector<16xf32>,
        tpu.vector_store %arg7[%swap3A_587, %swap3A_588, %swap3A_589], %gather3A_364 {strides = array<i32>} : memref<16x32x32xf32, #tpu.memory_space<vmem>>, vector<16xf32>,
        %scan3A_591 = arith.constant 0 : i32
        scf.yield %scan3A_591 : i32
      }
      %scan3A_371 = arith.constant 32 : i32
      %mul3A_372 = arith.constant 16 : i32
      %mul3A_373 = arith.muli %add3A, %mul3A_372 : i32
      %add3A_374 = arith.constant 8 : i32
      %add3A_375 = arith.addi %mul3A_373, %add3A_374 : i32
      %add3A_376 = vector.broadcast %add3A_375 : i32 to vector<16xi32>
      %add3A_377 = arith.addi %broadcast_in_dim3A_2, %add3A_376 : vector<16xi32>
      %mul3A_378 = arith.constant 256 : i32
      %mul3A_379 = vector.broadcast %mul3A_378 : i32 to vector<16xi32>
      %mul3A_380 = arith.muli %iota3A, %mul3A_379 : vector<16xi32>
      %add3A_381 = arith.addi %mul3A_380, %add3A_377 : vector<16xi32>
      %gather3A_382 = tpu.vector_load_idx %arg5[%add3A_381] : memref<8192xf32, #tpu.memory_space<vmem>>[vector<16xi32>], vector<16xf32>,
      %add3A_383 = arith.constant 16 : i32
      %add3A_384 = vector.broadcast %add3A_383 : i32 to vector<16xi32>
      %add3A_385 = arith.addi %iota3A, %add3A_384 : vector<16xi32>
      %mul3A_386 = arith.constant 256 : i32
      %mul3A_387 = vector.broadcast %mul3A_386 : i32 to vector<16xi32>
      %mul3A_388 = arith.muli %add3A_385, %mul3A_387 : vector<16xi32>
      %add3A_389 = arith.addi %mul3A_388, %add3A_377 : vector<16xi32>
      %gather3A_390 = tpu.vector_load_idx %arg5[%add3A_389] : memref<8192xf32, #tpu.memory_space<vmem>>[vector<16xi32>], vector<16xf32>,
      %scan3A_391 = arith.constant 0 : i32
      %scan3A_392 = arith.constant 0 : i32
      %scan3A_393 = arith.constant 32 : i32
      %scan3A_394 = arith.addi %scan3A_392, %scan3A_393 : i32
      %scan3A_395 = arith.constant 1 : i32
      %scan3A_396 = scf.for %scan3A_580 = %scan3A_392 to %scan3A_394 step %scan3A_395 iter_args(%scan3A_581 = %scan3A_391) -> (i32)  : i32 {
        %swap3A = arith.constant 8 : i32
        %swap3A_582 = arith.index_cast %swap3A : i32 to index
        %swap3A_583 = arith.index_cast %scan3A_580 : i32 to index
        %swap3A_584 = arith.constant 0 : index
        %swap3A_585 = tpu.vector_load %arg7[%swap3A_582, %swap3A_583, %swap3A_584] {strides = array<i32>} : memref<16x32x32xf32, #tpu.memory_space<vmem>>, vector<16xf32>,
        tpu.vector_store %arg7[%swap3A_582, %swap3A_583, %swap3A_584], %gather3A_382 {strides = array<i32>} : memref<16x32x32xf32, #tpu.memory_space<vmem>>, vector<16xf32>,
        %swap3A_586 = arith.constant 8 : i32
        %swap3A_587 = arith.index_cast %swap3A_586 : i32 to index
        %swap3A_588 = arith.index_cast %scan3A_580 : i32 to index
        %swap3A_589 = arith.constant 16 : index
        %swap3A_590 = tpu.vector_load %arg7[%swap3A_587, %swap3A_588, %swap3A_589] {strides = array<i32>} : memref<16x32x32xf32, #tpu.memory_space<vmem>>, vector<16xf32>,
        tpu.vector_store %arg7[%swap3A_587, %swap3A_588, %swap3A_589], %gather3A_390 {strides = array<i32>} : memref<16x32x32xf32, #tpu.memory_space<vmem>>, vector<16xf32>,
        %scan3A_591 = arith.constant 0 : i32
        scf.yield %scan3A_591 : i32
      }
      %scan3A_397 = arith.constant 32 : i32
      %mul3A_398 = arith.constant 16 : i32
      %mul3A_399 = arith.muli %add3A, %mul3A_398 : i32
      %add3A_400 = arith.constant 9 : i32
      %add3A_401 = arith.addi %mul3A_399, %add3A_400 : i32
      %add3A_402 = vector.broadcast %add3A_401 : i32 to vector<16xi32>
      %add3A_403 = arith.addi %broadcast_in_dim3A_2, %add3A_402 : vector<16xi32>
      %mul3A_404 = arith.constant 256 : i32
      %mul3A_405 = vector.broadcast %mul3A_404 : i32 to vector<16xi32>
      %mul3A_406 = arith.muli %iota3A, %mul3A_405 : vector<16xi32>
      %add3A_407 = arith.addi %mul3A_406, %add3A_403 : vector<16xi32>
      %gather3A_408 = tpu.vector_load_idx %arg5[%add3A_407] : memref<8192xf32, #tpu.memory_space<vmem>>[vector<16xi32>], vector<16xf32>,
      %add3A_409 = arith.constant 16 : i32
      %add3A_410 = vector.broadcast %add3A_409 : i32 to vector<16xi32>
      %add3A_411 = arith.addi %iota3A, %add3A_410 : vector<16xi32>
      %mul3A_412 = arith.constant 256 : i32
      %mul3A_413 = vector.broadcast %mul3A_412 : i32 to vector<16xi32>
      %mul3A_414 = arith.muli %add3A_411, %mul3A_413 : vector<16xi32>
      %add3A_415 = arith.addi %mul3A_414, %add3A_403 : vector<16xi32>
      %gather3A_416 = tpu.vector_load_idx %arg5[%add3A_415] : memref<8192xf32, #tpu.memory_space<vmem>>[vector<16xi32>], vector<16xf32>,
      %scan3A_417 = arith.constant 0 : i32
      %scan3A_418 = arith.constant 0 : i32
      %scan3A_419 = arith.constant 32 : i32
      %scan3A_420 = arith.addi %scan3A_418, %scan3A_419 : i32
      %scan3A_421 = arith.constant 1 : i32
      %scan3A_422 = scf.for %scan3A_580 = %scan3A_418 to %scan3A_420 step %scan3A_421 iter_args(%scan3A_581 = %scan3A_417) -> (i32)  : i32 {
        %swap3A = arith.constant 9 : i32
        %swap3A_582 = arith.index_cast %swap3A : i32 to index
        %swap3A_583 = arith.index_cast %scan3A_580 : i32 to index
        %swap3A_584 = arith.constant 0 : index
        %swap3A_585 = tpu.vector_load %arg7[%swap3A_582, %swap3A_583, %swap3A_584] {strides = array<i32>} : memref<16x32x32xf32, #tpu.memory_space<vmem>>, vector<16xf32>,
        tpu.vector_store %arg7[%swap3A_582, %swap3A_583, %swap3A_584], %gather3A_408 {strides = array<i32>} : memref<16x32x32xf32, #tpu.memory_space<vmem>>, vector<16xf32>,
        %swap3A_586 = arith.constant 9 : i32
        %swap3A_587 = arith.index_cast %swap3A_586 : i32 to index
        %swap3A_588 = arith.index_cast %scan3A_580 : i32 to index
        %swap3A_589 = arith.constant 16 : index
        %swap3A_590 = tpu.vector_load %arg7[%swap3A_587, %swap3A_588, %swap3A_589] {strides = array<i32>} : memref<16x32x32xf32, #tpu.memory_space<vmem>>, vector<16xf32>,
        tpu.vector_store %arg7[%swap3A_587, %swap3A_588, %swap3A_589], %gather3A_416 {strides = array<i32>} : memref<16x32x32xf32, #tpu.memory_space<vmem>>, vector<16xf32>,
        %scan3A_591 = arith.constant 0 : i32
        scf.yield %scan3A_591 : i32
      }
      %scan3A_423 = arith.constant 32 : i32
      %mul3A_424 = arith.constant 16 : i32
      %mul3A_425 = arith.muli %add3A, %mul3A_424 : i32
      %add3A_426 = arith.constant 10 : i32
      %add3A_427 = arith.addi %mul3A_425, %add3A_426 : i32
      %add3A_428 = vector.broadcast %add3A_427 : i32 to vector<16xi32>
      %add3A_429 = arith.addi %broadcast_in_dim3A_2, %add3A_428 : vector<16xi32>
      %mul3A_430 = arith.constant 256 : i32
      %mul3A_431 = vector.broadcast %mul3A_430 : i32 to vector<16xi32>
      %mul3A_432 = arith.muli %iota3A, %mul3A_431 : vector<16xi32>
      %add3A_433 = arith.addi %mul3A_432, %add3A_429 : vector<16xi32>
      %gather3A_434 = tpu.vector_load_idx %arg5[%add3A_433] : memref<8192xf32, #tpu.memory_space<vmem>>[vector<16xi32>], vector<16xf32>,
      %add3A_435 = arith.constant 16 : i32
      %add3A_436 = vector.broadcast %add3A_435 : i32 to vector<16xi32>
      %add3A_437 = arith.addi %iota3A, %add3A_436 : vector<16xi32>
      %mul3A_438 = arith.constant 256 : i32
      %mul3A_439 = vector.broadcast %mul3A_438 : i32 to vector<16xi32>
      %mul3A_440 = arith.muli %add3A_437, %mul3A_439 : vector<16xi32>
      %add3A_441 = arith.addi %mul3A_440, %add3A_429 : vector<16xi32>
      %gather3A_442 = tpu.vector_load_idx %arg5[%add3A_441] : memref<8192xf32, #tpu.memory_space<vmem>>[vector<16xi32>], vector<16xf32>,
      %scan3A_443 = arith.constant 0 : i32
      %scan3A_444 = arith.constant 0 : i32
      %scan3A_445 = arith.constant 32 : i32
      %scan3A_446 = arith.addi %scan3A_444, %scan3A_445 : i32
      %scan3A_447 = arith.constant 1 : i32
      %scan3A_448 = scf.for %scan3A_580 = %scan3A_444 to %scan3A_446 step %scan3A_447 iter_args(%scan3A_581 = %scan3A_443) -> (i32)  : i32 {
        %swap3A = arith.constant 10 : i32
        %swap3A_582 = arith.index_cast %swap3A : i32 to index
        %swap3A_583 = arith.index_cast %scan3A_580 : i32 to index
        %swap3A_584 = arith.constant 0 : index
        %swap3A_585 = tpu.vector_load %arg7[%swap3A_582, %swap3A_583, %swap3A_584] {strides = array<i32>} : memref<16x32x32xf32, #tpu.memory_space<vmem>>, vector<16xf32>,
        tpu.vector_store %arg7[%swap3A_582, %swap3A_583, %swap3A_584], %gather3A_434 {strides = array<i32>} : memref<16x32x32xf32, #tpu.memory_space<vmem>>, vector<16xf32>,
        %swap3A_586 = arith.constant 10 : i32
        %swap3A_587 = arith.index_cast %swap3A_586 : i32 to index
        %swap3A_588 = arith.index_cast %scan3A_580 : i32 to index
        %swap3A_589 = arith.constant 16 : index
        %swap3A_590 = tpu.vector_load %arg7[%swap3A_587, %swap3A_588, %swap3A_589] {strides = array<i32>} : memref<16x32x32xf32, #tpu.memory_space<vmem>>, vector<16xf32>,
        tpu.vector_store %arg7[%swap3A_587, %swap3A_588, %swap3A_589], %gather3A_442 {strides = array<i32>} : memref<16x32x32xf32, #tpu.memory_space<vmem>>, vector<16xf32>,
        %scan3A_591 = arith.constant 0 : i32
        scf.yield %scan3A_591 : i32
      }
      %scan3A_449 = arith.constant 32 : i32
      %mul3A_450 = arith.constant 16 : i32
      %mul3A_451 = arith.muli %add3A, %mul3A_450 : i32
      %add3A_452 = arith.constant 11 : i32
      %add3A_453 = arith.addi %mul3A_451, %add3A_452 : i32
      %add3A_454 = vector.broadcast %add3A_453 : i32 to vector<16xi32>
      %add3A_455 = arith.addi %broadcast_in_dim3A_2, %add3A_454 : vector<16xi32>
      %mul3A_456 = arith.constant 256 : i32
      %mul3A_457 = vector.broadcast %mul3A_456 : i32 to vector<16xi32>
      %mul3A_458 = arith.muli %iota3A, %mul3A_457 : vector<16xi32>
      %add3A_459 = arith.addi %mul3A_458, %add3A_455 : vector<16xi32>
      %gather3A_460 = tpu.vector_load_idx %arg5[%add3A_459] : memref<8192xf32, #tpu.memory_space<vmem>>[vector<16xi32>], vector<16xf32>,
      %add3A_461 = arith.constant 16 : i32
      %add3A_462 = vector.broadcast %add3A_461 : i32 to vector<16xi32>
      %add3A_463 = arith.addi %iota3A, %add3A_462 : vector<16xi32>
      %mul3A_464 = arith.constant 256 : i32
      %mul3A_465 = vector.broadcast %mul3A_464 : i32 to vector<16xi32>
      %mul3A_466 = arith.muli %add3A_463, %mul3A_465 : vector<16xi32>
      %add3A_467 = arith.addi %mul3A_466, %add3A_455 : vector<16xi32>
      %gather3A_468 = tpu.vector_load_idx %arg5[%add3A_467] : memref<8192xf32, #tpu.memory_space<vmem>>[vector<16xi32>], vector<16xf32>,
      %scan3A_469 = arith.constant 0 : i32
      %scan3A_470 = arith.constant 0 : i32
      %scan3A_471 = arith.constant 32 : i32
      %scan3A_472 = arith.addi %scan3A_470, %scan3A_471 : i32
      %scan3A_473 = arith.constant 1 : i32
      %scan3A_474 = scf.for %scan3A_580 = %scan3A_470 to %scan3A_472 step %scan3A_473 iter_args(%scan3A_581 = %scan3A_469) -> (i32)  : i32 {
        %swap3A = arith.constant 11 : i32
        %swap3A_582 = arith.index_cast %swap3A : i32 to index
        %swap3A_583 = arith.index_cast %scan3A_580 : i32 to index
        %swap3A_584 = arith.constant 0 : index
        %swap3A_585 = tpu.vector_load %arg7[%swap3A_582, %swap3A_583, %swap3A_584] {strides = array<i32>} : memref<16x32x32xf32, #tpu.memory_space<vmem>>, vector<16xf32>,
        tpu.vector_store %arg7[%swap3A_582, %swap3A_583, %swap3A_584], %gather3A_460 {strides = array<i32>} : memref<16x32x32xf32, #tpu.memory_space<vmem>>, vector<16xf32>,
        %swap3A_586 = arith.constant 11 : i32
        %swap3A_587 = arith.index_cast %swap3A_586 : i32 to index
        %swap3A_588 = arith.index_cast %scan3A_580 : i32 to index
        %swap3A_589 = arith.constant 16 : index
        %swap3A_590 = tpu.vector_load %arg7[%swap3A_587, %swap3A_588, %swap3A_589] {strides = array<i32>} : memref<16x32x32xf32, #tpu.memory_space<vmem>>, vector<16xf32>,
        tpu.vector_store %arg7[%swap3A_587, %swap3A_588, %swap3A_589], %gather3A_468 {strides = array<i32>} : memref<16x32x32xf32, #tpu.memory_space<vmem>>, vector<16xf32>,
        %scan3A_591 = arith.constant 0 : i32
        scf.yield %scan3A_591 : i32
      }
      %scan3A_475 = arith.constant 32 : i32
      %mul3A_476 = arith.constant 16 : i32
      %mul3A_477 = arith.muli %add3A, %mul3A_476 : i32
      %add3A_478 = arith.constant 12 : i32
      %add3A_479 = arith.addi %mul3A_477, %add3A_478 : i32
      %add3A_480 = vector.broadcast %add3A_479 : i32 to vector<16xi32>
      %add3A_481 = arith.addi %broadcast_in_dim3A_2, %add3A_480 : vector<16xi32>
      %mul3A_482 = arith.constant 256 : i32
      %mul3A_483 = vector.broadcast %mul3A_482 : i32 to vector<16xi32>
      %mul3A_484 = arith.muli %iota3A, %mul3A_483 : vector<16xi32>
      %add3A_485 = arith.addi %mul3A_484, %add3A_481 : vector<16xi32>
      %gather3A_486 = tpu.vector_load_idx %arg5[%add3A_485] : memref<8192xf32, #tpu.memory_space<vmem>>[vector<16xi32>], vector<16xf32>,
      %add3A_487 = arith.constant 16 : i32
      %add3A_488 = vector.broadcast %add3A_487 : i32 to vector<16xi32>
      %add3A_489 = arith.addi %iota3A, %add3A_488 : vector<16xi32>
      %mul3A_490 = arith.constant 256 : i32
      %mul3A_491 = vector.broadcast %mul3A_490 : i32 to vector<16xi32>
      %mul3A_492 = arith.muli %add3A_489, %mul3A_491 : vector<16xi32>
      %add3A_493 = arith.addi %mul3A_492, %add3A_481 : vector<16xi32>
      %gather3A_494 = tpu.vector_load_idx %arg5[%add3A_493] : memref<8192xf32, #tpu.memory_space<vmem>>[vector<16xi32>], vector<16xf32>,
      %scan3A_495 = arith.constant 0 : i32
      %scan3A_496 = arith.constant 0 : i32
      %scan3A_497 = arith.constant 32 : i32
      %scan3A_498 = arith.addi %scan3A_496, %scan3A_497 : i32
      %scan3A_499 = arith.constant 1 : i32
      %scan3A_500 = scf.for %scan3A_580 = %scan3A_496 to %scan3A_498 step %scan3A_499 iter_args(%scan3A_581 = %scan3A_495) -> (i32)  : i32 {
        %swap3A = arith.constant 12 : i32
        %swap3A_582 = arith.index_cast %swap3A : i32 to index
        %swap3A_583 = arith.index_cast %scan3A_580 : i32 to index
        %swap3A_584 = arith.constant 0 : index
        %swap3A_585 = tpu.vector_load %arg7[%swap3A_582, %swap3A_583, %swap3A_584] {strides = array<i32>} : memref<16x32x32xf32, #tpu.memory_space<vmem>>, vector<16xf32>,
        tpu.vector_store %arg7[%swap3A_582, %swap3A_583, %swap3A_584], %gather3A_486 {strides = array<i32>} : memref<16x32x32xf32, #tpu.memory_space<vmem>>, vector<16xf32>,
        %swap3A_586 = arith.constant 12 : i32
        %swap3A_587 = arith.index_cast %swap3A_586 : i32 to index
        %swap3A_588 = arith.index_cast %scan3A_580 : i32 to index
        %swap3A_589 = arith.constant 16 : index
        %swap3A_590 = tpu.vector_load %arg7[%swap3A_587, %swap3A_588, %swap3A_589] {strides = array<i32>} : memref<16x32x32xf32, #tpu.memory_space<vmem>>, vector<16xf32>,
        tpu.vector_store %arg7[%swap3A_587, %swap3A_588, %swap3A_589], %gather3A_494 {strides = array<i32>} : memref<16x32x32xf32, #tpu.memory_space<vmem>>, vector<16xf32>,
        %scan3A_591 = arith.constant 0 : i32
        scf.yield %scan3A_591 : i32
      }
      %scan3A_501 = arith.constant 32 : i32
      %mul3A_502 = arith.constant 16 : i32
      %mul3A_503 = arith.muli %add3A, %mul3A_502 : i32
      %add3A_504 = arith.constant 13 : i32
      %add3A_505 = arith.addi %mul3A_503, %add3A_504 : i32
      %add3A_506 = vector.broadcast %add3A_505 : i32 to vector<16xi32>
      %add3A_507 = arith.addi %broadcast_in_dim3A_2, %add3A_506 : vector<16xi32>
      %mul3A_508 = arith.constant 256 : i32
      %mul3A_509 = vector.broadcast %mul3A_508 : i32 to vector<16xi32>
      %mul3A_510 = arith.muli %iota3A, %mul3A_509 : vector<16xi32>
      %add3A_511 = arith.addi %mul3A_510, %add3A_507 : vector<16xi32>
      %gather3A_512 = tpu.vector_load_idx %arg5[%add3A_511] : memref<8192xf32, #tpu.memory_space<vmem>>[vector<16xi32>], vector<16xf32>,
      %add3A_513 = arith.constant 16 : i32
      %add3A_514 = vector.broadcast %add3A_513 : i32 to vector<16xi32>
      %add3A_515 = arith.addi %iota3A, %add3A_514 : vector<16xi32>
      %mul3A_516 = arith.constant 256 : i32
      %mul3A_517 = vector.broadcast %mul3A_516 : i32 to vector<16xi32>
      %mul3A_518 = arith.muli %add3A_515, %mul3A_517 : vector<16xi32>
      %add3A_519 = arith.addi %mul3A_518, %add3A_507 : vector<16xi32>
      %gather3A_520 = tpu.vector_load_idx %arg5[%add3A_519] : memref<8192xf32, #tpu.memory_space<vmem>>[vector<16xi32>], vector<16xf32>,
      %scan3A_521 = arith.constant 0 : i32
      %scan3A_522 = arith.constant 0 : i32
      %scan3A_523 = arith.constant 32 : i32
      %scan3A_524 = arith.addi %scan3A_522, %scan3A_523 : i32
      %scan3A_525 = arith.constant 1 : i32
      %scan3A_526 = scf.for %scan3A_580 = %scan3A_522 to %scan3A_524 step %scan3A_525 iter_args(%scan3A_581 = %scan3A_521) -> (i32)  : i32 {
        %swap3A = arith.constant 13 : i32
        %swap3A_582 = arith.index_cast %swap3A : i32 to index
        %swap3A_583 = arith.index_cast %scan3A_580 : i32 to index
        %swap3A_584 = arith.constant 0 : index
        %swap3A_585 = tpu.vector_load %arg7[%swap3A_582, %swap3A_583, %swap3A_584] {strides = array<i32>} : memref<16x32x32xf32, #tpu.memory_space<vmem>>, vector<16xf32>,
        tpu.vector_store %arg7[%swap3A_582, %swap3A_583, %swap3A_584], %gather3A_512 {strides = array<i32>} : memref<16x32x32xf32, #tpu.memory_space<vmem>>, vector<16xf32>,
        %swap3A_586 = arith.constant 13 : i32
        %swap3A_587 = arith.index_cast %swap3A_586 : i32 to index
        %swap3A_588 = arith.index_cast %scan3A_580 : i32 to index
        %swap3A_589 = arith.constant 16 : index
        %swap3A_590 = tpu.vector_load %arg7[%swap3A_587, %swap3A_588, %swap3A_589] {strides = array<i32>} : memref<16x32x32xf32, #tpu.memory_space<vmem>>, vector<16xf32>,
        tpu.vector_store %arg7[%swap3A_587, %swap3A_588, %swap3A_589], %gather3A_520 {strides = array<i32>} : memref<16x32x32xf32, #tpu.memory_space<vmem>>, vector<16xf32>,
        %scan3A_591 = arith.constant 0 : i32
        scf.yield %scan3A_591 : i32
      }
      %scan3A_527 = arith.constant 32 : i32
      %mul3A_528 = arith.constant 16 : i32
      %mul3A_529 = arith.muli %add3A, %mul3A_528 : i32
      %add3A_530 = arith.constant 14 : i32
      %add3A_531 = arith.addi %mul3A_529, %add3A_530 : i32
      %add3A_532 = vector.broadcast %add3A_531 : i32 to vector<16xi32>
      %add3A_533 = arith.addi %broadcast_in_dim3A_2, %add3A_532 : vector<16xi32>
      %mul3A_534 = arith.constant 256 : i32
      %mul3A_535 = vector.broadcast %mul3A_534 : i32 to vector<16xi32>
      %mul3A_536 = arith.muli %iota3A, %mul3A_535 : vector<16xi32>
      %add3A_537 = arith.addi %mul3A_536, %add3A_533 : vector<16xi32>
      %gather3A_538 = tpu.vector_load_idx %arg5[%add3A_537] : memref<8192xf32, #tpu.memory_space<vmem>>[vector<16xi32>], vector<16xf32>,
      %add3A_539 = arith.constant 16 : i32
      %add3A_540 = vector.broadcast %add3A_539 : i32 to vector<16xi32>
      %add3A_541 = arith.addi %iota3A, %add3A_540 : vector<16xi32>
      %mul3A_542 = arith.constant 256 : i32
      %mul3A_543 = vector.broadcast %mul3A_542 : i32 to vector<16xi32>
      %mul3A_544 = arith.muli %add3A_541, %mul3A_543 : vector<16xi32>
      %add3A_545 = arith.addi %mul3A_544, %add3A_533 : vector<16xi32>
      %gather3A_546 = tpu.vector_load_idx %arg5[%add3A_545] : memref<8192xf32, #tpu.memory_space<vmem>>[vector<16xi32>], vector<16xf32>,
      %scan3A_547 = arith.constant 0 : i32
      %scan3A_548 = arith.constant 0 : i32
      %scan3A_549 = arith.constant 32 : i32
      %scan3A_550 = arith.addi %scan3A_548, %scan3A_549 : i32
      %scan3A_551 = arith.constant 1 : i32
      %scan3A_552 = scf.for %scan3A_580 = %scan3A_548 to %scan3A_550 step %scan3A_551 iter_args(%scan3A_581 = %scan3A_547) -> (i32)  : i32 {
        %swap3A = arith.constant 14 : i32
        %swap3A_582 = arith.index_cast %swap3A : i32 to index
        %swap3A_583 = arith.index_cast %scan3A_580 : i32 to index
        %swap3A_584 = arith.constant 0 : index
        %swap3A_585 = tpu.vector_load %arg7[%swap3A_582, %swap3A_583, %swap3A_584] {strides = array<i32>} : memref<16x32x32xf32, #tpu.memory_space<vmem>>, vector<16xf32>,
        tpu.vector_store %arg7[%swap3A_582, %swap3A_583, %swap3A_584], %gather3A_538 {strides = array<i32>} : memref<16x32x32xf32, #tpu.memory_space<vmem>>, vector<16xf32>,
        %swap3A_586 = arith.constant 14 : i32
        %swap3A_587 = arith.index_cast %swap3A_586 : i32 to index
        %swap3A_588 = arith.index_cast %scan3A_580 : i32 to index
        %swap3A_589 = arith.constant 16 : index
        %swap3A_590 = tpu.vector_load %arg7[%swap3A_587, %swap3A_588, %swap3A_589] {strides = array<i32>} : memref<16x32x32xf32, #tpu.memory_space<vmem>>, vector<16xf32>,
        tpu.vector_store %arg7[%swap3A_587, %swap3A_588, %swap3A_589], %gather3A_546 {strides = array<i32>} : memref<16x32x32xf32, #tpu.memory_space<vmem>>, vector<16xf32>,
        %scan3A_591 = arith.constant 0 : i32
        scf.yield %scan3A_591 : i32
      }
      %scan3A_553 = arith.constant 32 : i32
      %mul3A_554 = arith.constant 16 : i32
      %mul3A_555 = arith.muli %add3A, %mul3A_554 : i32
      %add3A_556 = arith.constant 15 : i32
      %add3A_557 = arith.addi %mul3A_555, %add3A_556 : i32
      %add3A_558 = vector.broadcast %add3A_557 : i32 to vector<16xi32>
      %add3A_559 = arith.addi %broadcast_in_dim3A_2, %add3A_558 : vector<16xi32>
      %mul3A_560 = arith.constant 256 : i32
      %mul3A_561 = vector.broadcast %mul3A_560 : i32 to vector<16xi32>
      %mul3A_562 = arith.muli %iota3A, %mul3A_561 : vector<16xi32>
      %add3A_563 = arith.addi %mul3A_562, %add3A_559 : vector<16xi32>
      %gather3A_564 = tpu.vector_load_idx %arg5[%add3A_563] : memref<8192xf32, #tpu.memory_space<vmem>>[vector<16xi32>], vector<16xf32>,
      %add3A_565 = arith.constant 16 : i32
      %add3A_566 = vector.broadcast %add3A_565 : i32 to vector<16xi32>
      %add3A_567 = arith.addi %iota3A, %add3A_566 : vector<16xi32>
      %mul3A_568 = arith.constant 256 : i32
      %mul3A_569 = vector.broadcast %mul3A_568 : i32 to vector<16xi32>
      %mul3A_570 = arith.muli %add3A_567, %mul3A_569 : vector<16xi32>
      %add3A_571 = arith.addi %mul3A_570, %add3A_559 : vector<16xi32>
      %gather3A_572 = tpu.vector_load_idx %arg5[%add3A_571] : memref<8192xf32, #tpu.memory_space<vmem>>[vector<16xi32>], vector<16xf32>,
      %scan3A_573 = arith.constant 0 : i32
      %scan3A_574 = arith.constant 0 : i32
      %scan3A_575 = arith.constant 32 : i32
      %scan3A_576 = arith.addi %scan3A_574, %scan3A_575 : i32
      %scan3A_577 = arith.constant 1 : i32
      %scan3A_578 = scf.for %scan3A_580 = %scan3A_574 to %scan3A_576 step %scan3A_577 iter_args(%scan3A_581 = %scan3A_573) -> (i32)  : i32 {
        %swap3A = arith.constant 15 : i32
        %swap3A_582 = arith.index_cast %swap3A : i32 to index
        %swap3A_583 = arith.index_cast %scan3A_580 : i32 to index
        %swap3A_584 = arith.constant 0 : index
        %swap3A_585 = tpu.vector_load %arg7[%swap3A_582, %swap3A_583, %swap3A_584] {strides = array<i32>} : memref<16x32x32xf32, #tpu.memory_space<vmem>>, vector<16xf32>,
        tpu.vector_store %arg7[%swap3A_582, %swap3A_583, %swap3A_584], %gather3A_564 {strides = array<i32>} : memref<16x32x32xf32, #tpu.memory_space<vmem>>, vector<16xf32>,
        %swap3A_586 = arith.constant 15 : i32
        %swap3A_587 = arith.index_cast %swap3A_586 : i32 to index
        %swap3A_588 = arith.index_cast %scan3A_580 : i32 to index
        %swap3A_589 = arith.constant 16 : index
        %swap3A_590 = tpu.vector_load %arg7[%swap3A_587, %swap3A_588, %swap3A_589] {strides = array<i32>} : memref<16x32x32xf32, #tpu.memory_space<vmem>>, vector<16xf32>,
        tpu.vector_store %arg7[%swap3A_587, %swap3A_588, %swap3A_589], %gather3A_572 {strides = array<i32>} : memref<16x32x32xf32, #tpu.memory_space<vmem>>, vector<16xf32>,
        %scan3A_591 = arith.constant 0 : i32
        scf.yield %scan3A_591 : i32
      }
      %scan3A_579 = arith.constant 32 : i32
    } else {
    }
    %not3A = arith.constant true
    %not3A_4 = arith.xori %lt3A_1, %not3A : i1
    %convert_element_type3A_5 = arith.extui %not3A_4 : i1 to i32
    %cond3A_6 = arith.constant 0 : i32
    %cond3A_7 = arith.cmpi ne, %convert_element_type3A_5, %cond3A_6 : i32
    scf.if %cond3A_7 {
      %mul3A_166 = arith.constant 16 : i32
      %mul3A_167 = arith.muli %add3A, %mul3A_166 : i32
      %add3A_168 = arith.constant 0 : i32
      %add3A_169 = arith.addi %mul3A_167, %add3A_168 : i32
      %sub3A = arith.constant 256 : i32
      %sub3A_170 = arith.subi %add3A_169, %sub3A : i32
      %add3A_171 = vector.broadcast %sub3A_170 : i32 to vector<16xi32>
      %add3A_172 = arith.addi %broadcast_in_dim3A_2, %add3A_171 : vector<16xi32>
      %scan3A = arith.constant 0 : i32
      %scan3A_173 = arith.constant 0 : i32
      %scan3A_174 = arith.constant 32 : i32
      %scan3A_175 = arith.addi %scan3A_173, %scan3A_174 : i32
      %scan3A_176 = arith.constant 1 : i32
      %scan3A_177 = scf.for %scan3A_404 = %scan3A_173 to %scan3A_175 step %scan3A_176 iter_args(%scan3A_405 = %scan3A) -> (i32)  : i32 {
        %mul3A_406 = arith.constant 256 : i32
        %mul3A_407 = arith.muli %scan3A_404, %mul3A_406 : i32
        %add3A_408 = vector.broadcast %mul3A_407 : i32 to vector<16xi32>
        %add3A_409 = arith.addi %add3A_408, %add3A_172 : vector<16xi32>
        %gather3A = tpu.vector_load_idx %arg6[%add3A_409] : memref<8192xf32, #tpu.memory_space<vmem>>[vector<16xi32>], vector<16xf32>,
        %swap3A = arith.constant 0 : i32
        %swap3A_410 = arith.index_cast %swap3A : i32 to index
        %swap3A_411 = arith.index_cast %scan3A_404 : i32 to index
        %swap3A_412 = arith.constant 0 : index
        %swap3A_413 = tpu.vector_load %arg7[%swap3A_410, %swap3A_411, %swap3A_412] {strides = array<i32>} : memref<16x32x32xf32, #tpu.memory_space<vmem>>, vector<16xf32>,
        tpu.vector_store %arg7[%swap3A_410, %swap3A_411, %swap3A_412], %gather3A {strides = array<i32>} : memref<16x32x32xf32, #tpu.memory_space<vmem>>, vector<16xf32>,
        %swap3A_414 = arith.constant 0 : i32
        %swap3A_415 = arith.index_cast %swap3A_414 : i32 to index
        %swap3A_416 = arith.index_cast %scan3A_404 : i32 to index
        %swap3A_417 = arith.constant 16 : index
        %swap3A_418 = tpu.vector_load %arg7[%swap3A_415, %swap3A_416, %swap3A_417] {strides = array<i32>} : memref<16x32x32xf32, #tpu.memory_space<vmem>>, vector<16xf32>,
        tpu.vector_store %arg7[%swap3A_415, %swap3A_416, %swap3A_417], %gather3A {strides = array<i32>} : memref<16x32x32xf32, #tpu.memory_space<vmem>>, vector<16xf32>,
        %scan3A_419 = arith.constant 0 : i32
        scf.yield %scan3A_419 : i32
      }
      %scan3A_178 = arith.constant 32 : i32
      %mul3A_179 = arith.constant 16 : i32
      %mul3A_180 = arith.muli %add3A, %mul3A_179 : i32
      %add3A_181 = arith.constant 1 : i32
      %add3A_182 = arith.addi %mul3A_180, %add3A_181 : i32
      %sub3A_183 = arith.constant 256 : i32
      %sub3A_184 = arith.subi %add3A_182, %sub3A_183 : i32
      %add3A_185 = vector.broadcast %sub3A_184 : i32 to vector<16xi32>
      %add3A_186 = arith.addi %broadcast_in_dim3A_2, %add3A_185 : vector<16xi32>
      %scan3A_187 = arith.constant 0 : i32
      %scan3A_188 = arith.constant 0 : i32
      %scan3A_189 = arith.constant 32 : i32
      %scan3A_190 = arith.addi %scan3A_188, %scan3A_189 : i32
      %scan3A_191 = arith.constant 1 : i32
      %scan3A_192 = scf.for %scan3A_404 = %scan3A_188 to %scan3A_190 step %scan3A_191 iter_args(%scan3A_405 = %scan3A_187) -> (i32)  : i32 {
        %mul3A_406 = arith.constant 256 : i32
        %mul3A_407 = arith.muli %scan3A_404, %mul3A_406 : i32
        %add3A_408 = vector.broadcast %mul3A_407 : i32 to vector<16xi32>
        %add3A_409 = arith.addi %add3A_408, %add3A_186 : vector<16xi32>
        %gather3A = tpu.vector_load_idx %arg6[%add3A_409] : memref<8192xf32, #tpu.memory_space<vmem>>[vector<16xi32>], vector<16xf32>,
        %swap3A = arith.constant 1 : i32
        %swap3A_410 = arith.index_cast %swap3A : i32 to index
        %swap3A_411 = arith.index_cast %scan3A_404 : i32 to index
        %swap3A_412 = arith.constant 0 : index
        %swap3A_413 = tpu.vector_load %arg7[%swap3A_410, %swap3A_411, %swap3A_412] {strides = array<i32>} : memref<16x32x32xf32, #tpu.memory_space<vmem>>, vector<16xf32>,
        tpu.vector_store %arg7[%swap3A_410, %swap3A_411, %swap3A_412], %gather3A {strides = array<i32>} : memref<16x32x32xf32, #tpu.memory_space<vmem>>, vector<16xf32>,
        %swap3A_414 = arith.constant 1 : i32
        %swap3A_415 = arith.index_cast %swap3A_414 : i32 to index
        %swap3A_416 = arith.index_cast %scan3A_404 : i32 to index
        %swap3A_417 = arith.constant 16 : index
        %swap3A_418 = tpu.vector_load %arg7[%swap3A_415, %swap3A_416, %swap3A_417] {strides = array<i32>} : memref<16x32x32xf32, #tpu.memory_space<vmem>>, vector<16xf32>,
        tpu.vector_store %arg7[%swap3A_415, %swap3A_416, %swap3A_417], %gather3A {strides = array<i32>} : memref<16x32x32xf32, #tpu.memory_space<vmem>>, vector<16xf32>,
        %scan3A_419 = arith.constant 0 : i32
        scf.yield %scan3A_419 : i32
      }
      %scan3A_193 = arith.constant 32 : i32
      %mul3A_194 = arith.constant 16 : i32
      %mul3A_195 = arith.muli %add3A, %mul3A_194 : i32
      %add3A_196 = arith.constant 2 : i32
      %add3A_197 = arith.addi %mul3A_195, %add3A_196 : i32
      %sub3A_198 = arith.constant 256 : i32
      %sub3A_199 = arith.subi %add3A_197, %sub3A_198 : i32
      %add3A_200 = vector.broadcast %sub3A_199 : i32 to vector<16xi32>
      %add3A_201 = arith.addi %broadcast_in_dim3A_2, %add3A_200 : vector<16xi32>
      %scan3A_202 = arith.constant 0 : i32
      %scan3A_203 = arith.constant 0 : i32
      %scan3A_204 = arith.constant 32 : i32
      %scan3A_205 = arith.addi %scan3A_203, %scan3A_204 : i32
      %scan3A_206 = arith.constant 1 : i32
      %scan3A_207 = scf.for %scan3A_404 = %scan3A_203 to %scan3A_205 step %scan3A_206 iter_args(%scan3A_405 = %scan3A_202) -> (i32)  : i32 {
        %mul3A_406 = arith.constant 256 : i32
        %mul3A_407 = arith.muli %scan3A_404, %mul3A_406 : i32
        %add3A_408 = vector.broadcast %mul3A_407 : i32 to vector<16xi32>
        %add3A_409 = arith.addi %add3A_408, %add3A_201 : vector<16xi32>
        %gather3A = tpu.vector_load_idx %arg6[%add3A_409] : memref<8192xf32, #tpu.memory_space<vmem>>[vector<16xi32>], vector<16xf32>,
        %swap3A = arith.constant 2 : i32
        %swap3A_410 = arith.index_cast %swap3A : i32 to index
        %swap3A_411 = arith.index_cast %scan3A_404 : i32 to index
        %swap3A_412 = arith.constant 0 : index
        %swap3A_413 = tpu.vector_load %arg7[%swap3A_410, %swap3A_411, %swap3A_412] {strides = array<i32>} : memref<16x32x32xf32, #tpu.memory_space<vmem>>, vector<16xf32>,
        tpu.vector_store %arg7[%swap3A_410, %swap3A_411, %swap3A_412], %gather3A {strides = array<i32>} : memref<16x32x32xf32, #tpu.memory_space<vmem>>, vector<16xf32>,
        %swap3A_414 = arith.constant 2 : i32
        %swap3A_415 = arith.index_cast %swap3A_414 : i32 to index
        %swap3A_416 = arith.index_cast %scan3A_404 : i32 to index
        %swap3A_417 = arith.constant 16 : index
        %swap3A_418 = tpu.vector_load %arg7[%swap3A_415, %swap3A_416, %swap3A_417] {strides = array<i32>} : memref<16x32x32xf32, #tpu.memory_space<vmem>>, vector<16xf32>,
        tpu.vector_store %arg7[%swap3A_415, %swap3A_416, %swap3A_417], %gather3A {strides = array<i32>} : memref<16x32x32xf32, #tpu.memory_space<vmem>>, vector<16xf32>,
        %scan3A_419 = arith.constant 0 : i32
        scf.yield %scan3A_419 : i32
      }
      %scan3A_208 = arith.constant 32 : i32
      %mul3A_209 = arith.constant 16 : i32
      %mul3A_210 = arith.muli %add3A, %mul3A_209 : i32
      %add3A_211 = arith.constant 3 : i32
      %add3A_212 = arith.addi %mul3A_210, %add3A_211 : i32
      %sub3A_213 = arith.constant 256 : i32
      %sub3A_214 = arith.subi %add3A_212, %sub3A_213 : i32
      %add3A_215 = vector.broadcast %sub3A_214 : i32 to vector<16xi32>
      %add3A_216 = arith.addi %broadcast_in_dim3A_2, %add3A_215 : vector<16xi32>
      %scan3A_217 = arith.constant 0 : i32
      %scan3A_218 = arith.constant 0 : i32
      %scan3A_219 = arith.constant 32 : i32
      %scan3A_220 = arith.addi %scan3A_218, %scan3A_219 : i32
      %scan3A_221 = arith.constant 1 : i32
      %scan3A_222 = scf.for %scan3A_404 = %scan3A_218 to %scan3A_220 step %scan3A_221 iter_args(%scan3A_405 = %scan3A_217) -> (i32)  : i32 {
        %mul3A_406 = arith.constant 256 : i32
        %mul3A_407 = arith.muli %scan3A_404, %mul3A_406 : i32
        %add3A_408 = vector.broadcast %mul3A_407 : i32 to vector<16xi32>
        %add3A_409 = arith.addi %add3A_408, %add3A_216 : vector<16xi32>
        %gather3A = tpu.vector_load_idx %arg6[%add3A_409] : memref<8192xf32, #tpu.memory_space<vmem>>[vector<16xi32>], vector<16xf32>,
        %swap3A = arith.constant 3 : i32
        %swap3A_410 = arith.index_cast %swap3A : i32 to index
        %swap3A_411 = arith.index_cast %scan3A_404 : i32 to index
        %swap3A_412 = arith.constant 0 : index
        %swap3A_413 = tpu.vector_load %arg7[%swap3A_410, %swap3A_411, %swap3A_412] {strides = array<i32>} : memref<16x32x32xf32, #tpu.memory_space<vmem>>, vector<16xf32>,
        tpu.vector_store %arg7[%swap3A_410, %swap3A_411, %swap3A_412], %gather3A {strides = array<i32>} : memref<16x32x32xf32, #tpu.memory_space<vmem>>, vector<16xf32>,
        %swap3A_414 = arith.constant 3 : i32
        %swap3A_415 = arith.index_cast %swap3A_414 : i32 to index
        %swap3A_416 = arith.index_cast %scan3A_404 : i32 to index
        %swap3A_417 = arith.constant 16 : index
        %swap3A_418 = tpu.vector_load %arg7[%swap3A_415, %swap3A_416, %swap3A_417] {strides = array<i32>} : memref<16x32x32xf32, #tpu.memory_space<vmem>>, vector<16xf32>,
        tpu.vector_store %arg7[%swap3A_415, %swap3A_416, %swap3A_417], %gather3A {strides = array<i32>} : memref<16x32x32xf32, #tpu.memory_space<vmem>>, vector<16xf32>,
        %scan3A_419 = arith.constant 0 : i32
        scf.yield %scan3A_419 : i32
      }
      %scan3A_223 = arith.constant 32 : i32
      %mul3A_224 = arith.constant 16 : i32
      %mul3A_225 = arith.muli %add3A, %mul3A_224 : i32
      %add3A_226 = arith.constant 4 : i32
      %add3A_227 = arith.addi %mul3A_225, %add3A_226 : i32
      %sub3A_228 = arith.constant 256 : i32
      %sub3A_229 = arith.subi %add3A_227, %sub3A_228 : i32
      %add3A_230 = vector.broadcast %sub3A_229 : i32 to vector<16xi32>
      %add3A_231 = arith.addi %broadcast_in_dim3A_2, %add3A_230 : vector<16xi32>
      %scan3A_232 = arith.constant 0 : i32
      %scan3A_233 = arith.constant 0 : i32
      %scan3A_234 = arith.constant 32 : i32
      %scan3A_235 = arith.addi %scan3A_233, %scan3A_234 : i32
      %scan3A_236 = arith.constant 1 : i32
      %scan3A_237 = scf.for %scan3A_404 = %scan3A_233 to %scan3A_235 step %scan3A_236 iter_args(%scan3A_405 = %scan3A_232) -> (i32)  : i32 {
        %mul3A_406 = arith.constant 256 : i32
        %mul3A_407 = arith.muli %scan3A_404, %mul3A_406 : i32
        %add3A_408 = vector.broadcast %mul3A_407 : i32 to vector<16xi32>
        %add3A_409 = arith.addi %add3A_408, %add3A_231 : vector<16xi32>
        %gather3A = tpu.vector_load_idx %arg6[%add3A_409] : memref<8192xf32, #tpu.memory_space<vmem>>[vector<16xi32>], vector<16xf32>,
        %swap3A = arith.constant 4 : i32
        %swap3A_410 = arith.index_cast %swap3A : i32 to index
        %swap3A_411 = arith.index_cast %scan3A_404 : i32 to index
        %swap3A_412 = arith.constant 0 : index
        %swap3A_413 = tpu.vector_load %arg7[%swap3A_410, %swap3A_411, %swap3A_412] {strides = array<i32>} : memref<16x32x32xf32, #tpu.memory_space<vmem>>, vector<16xf32>,
        tpu.vector_store %arg7[%swap3A_410, %swap3A_411, %swap3A_412], %gather3A {strides = array<i32>} : memref<16x32x32xf32, #tpu.memory_space<vmem>>, vector<16xf32>,
        %swap3A_414 = arith.constant 4 : i32
        %swap3A_415 = arith.index_cast %swap3A_414 : i32 to index
        %swap3A_416 = arith.index_cast %scan3A_404 : i32 to index
        %swap3A_417 = arith.constant 16 : index
        %swap3A_418 = tpu.vector_load %arg7[%swap3A_415, %swap3A_416, %swap3A_417] {strides = array<i32>} : memref<16x32x32xf32, #tpu.memory_space<vmem>>, vector<16xf32>,
        tpu.vector_store %arg7[%swap3A_415, %swap3A_416, %swap3A_417], %gather3A {strides = array<i32>} : memref<16x32x32xf32, #tpu.memory_space<vmem>>, vector<16xf32>,
        %scan3A_419 = arith.constant 0 : i32
        scf.yield %scan3A_419 : i32
      }
      %scan3A_238 = arith.constant 32 : i32
      %mul3A_239 = arith.constant 16 : i32
      %mul3A_240 = arith.muli %add3A, %mul3A_239 : i32
      %add3A_241 = arith.constant 5 : i32
      %add3A_242 = arith.addi %mul3A_240, %add3A_241 : i32
      %sub3A_243 = arith.constant 256 : i32
      %sub3A_244 = arith.subi %add3A_242, %sub3A_243 : i32
      %add3A_245 = vector.broadcast %sub3A_244 : i32 to vector<16xi32>
      %add3A_246 = arith.addi %broadcast_in_dim3A_2, %add3A_245 : vector<16xi32>
      %scan3A_247 = arith.constant 0 : i32
      %scan3A_248 = arith.constant 0 : i32
      %scan3A_249 = arith.constant 32 : i32
      %scan3A_250 = arith.addi %scan3A_248, %scan3A_249 : i32
      %scan3A_251 = arith.constant 1 : i32
      %scan3A_252 = scf.for %scan3A_404 = %scan3A_248 to %scan3A_250 step %scan3A_251 iter_args(%scan3A_405 = %scan3A_247) -> (i32)  : i32 {
        %mul3A_406 = arith.constant 256 : i32
        %mul3A_407 = arith.muli %scan3A_404, %mul3A_406 : i32
        %add3A_408 = vector.broadcast %mul3A_407 : i32 to vector<16xi32>
        %add3A_409 = arith.addi %add3A_408, %add3A_246 : vector<16xi32>
        %gather3A = tpu.vector_load_idx %arg6[%add3A_409] : memref<8192xf32, #tpu.memory_space<vmem>>[vector<16xi32>], vector<16xf32>,
        %swap3A = arith.constant 5 : i32
        %swap3A_410 = arith.index_cast %swap3A : i32 to index
        %swap3A_411 = arith.index_cast %scan3A_404 : i32 to index
        %swap3A_412 = arith.constant 0 : index
        %swap3A_413 = tpu.vector_load %arg7[%swap3A_410, %swap3A_411, %swap3A_412] {strides = array<i32>} : memref<16x32x32xf32, #tpu.memory_space<vmem>>, vector<16xf32>,
        tpu.vector_store %arg7[%swap3A_410, %swap3A_411, %swap3A_412], %gather3A {strides = array<i32>} : memref<16x32x32xf32, #tpu.memory_space<vmem>>, vector<16xf32>,
        %swap3A_414 = arith.constant 5 : i32
        %swap3A_415 = arith.index_cast %swap3A_414 : i32 to index
        %swap3A_416 = arith.index_cast %scan3A_404 : i32 to index
        %swap3A_417 = arith.constant 16 : index
        %swap3A_418 = tpu.vector_load %arg7[%swap3A_415, %swap3A_416, %swap3A_417] {strides = array<i32>} : memref<16x32x32xf32, #tpu.memory_space<vmem>>, vector<16xf32>,
        tpu.vector_store %arg7[%swap3A_415, %swap3A_416, %swap3A_417], %gather3A {strides = array<i32>} : memref<16x32x32xf32, #tpu.memory_space<vmem>>, vector<16xf32>,
        %scan3A_419 = arith.constant 0 : i32
        scf.yield %scan3A_419 : i32
      }
      %scan3A_253 = arith.constant 32 : i32
      %mul3A_254 = arith.constant 16 : i32
      %mul3A_255 = arith.muli %add3A, %mul3A_254 : i32
      %add3A_256 = arith.constant 6 : i32
      %add3A_257 = arith.addi %mul3A_255, %add3A_256 : i32
      %sub3A_258 = arith.constant 256 : i32
      %sub3A_259 = arith.subi %add3A_257, %sub3A_258 : i32
      %add3A_260 = vector.broadcast %sub3A_259 : i32 to vector<16xi32>
      %add3A_261 = arith.addi %broadcast_in_dim3A_2, %add3A_260 : vector<16xi32>
      %scan3A_262 = arith.constant 0 : i32
      %scan3A_263 = arith.constant 0 : i32
      %scan3A_264 = arith.constant 32 : i32
      %scan3A_265 = arith.addi %scan3A_263, %scan3A_264 : i32
      %scan3A_266 = arith.constant 1 : i32
      %scan3A_267 = scf.for %scan3A_404 = %scan3A_263 to %scan3A_265 step %scan3A_266 iter_args(%scan3A_405 = %scan3A_262) -> (i32)  : i32 {
        %mul3A_406 = arith.constant 256 : i32
        %mul3A_407 = arith.muli %scan3A_404, %mul3A_406 : i32
        %add3A_408 = vector.broadcast %mul3A_407 : i32 to vector<16xi32>
        %add3A_409 = arith.addi %add3A_408, %add3A_261 : vector<16xi32>
        %gather3A = tpu.vector_load_idx %arg6[%add3A_409] : memref<8192xf32, #tpu.memory_space<vmem>>[vector<16xi32>], vector<16xf32>,
        %swap3A = arith.constant 6 : i32
        %swap3A_410 = arith.index_cast %swap3A : i32 to index
        %swap3A_411 = arith.index_cast %scan3A_404 : i32 to index
        %swap3A_412 = arith.constant 0 : index
        %swap3A_413 = tpu.vector_load %arg7[%swap3A_410, %swap3A_411, %swap3A_412] {strides = array<i32>} : memref<16x32x32xf32, #tpu.memory_space<vmem>>, vector<16xf32>,
        tpu.vector_store %arg7[%swap3A_410, %swap3A_411, %swap3A_412], %gather3A {strides = array<i32>} : memref<16x32x32xf32, #tpu.memory_space<vmem>>, vector<16xf32>,
        %swap3A_414 = arith.constant 6 : i32
        %swap3A_415 = arith.index_cast %swap3A_414 : i32 to index
        %swap3A_416 = arith.index_cast %scan3A_404 : i32 to index
        %swap3A_417 = arith.constant 16 : index
        %swap3A_418 = tpu.vector_load %arg7[%swap3A_415, %swap3A_416, %swap3A_417] {strides = array<i32>} : memref<16x32x32xf32, #tpu.memory_space<vmem>>, vector<16xf32>,
        tpu.vector_store %arg7[%swap3A_415, %swap3A_416, %swap3A_417], %gather3A {strides = array<i32>} : memref<16x32x32xf32, #tpu.memory_space<vmem>>, vector<16xf32>,
        %scan3A_419 = arith.constant 0 : i32
        scf.yield %scan3A_419 : i32
      }
      %scan3A_268 = arith.constant 32 : i32
      %mul3A_269 = arith.constant 16 : i32
      %mul3A_270 = arith.muli %add3A, %mul3A_269 : i32
      %add3A_271 = arith.constant 7 : i32
      %add3A_272 = arith.addi %mul3A_270, %add3A_271 : i32
      %sub3A_273 = arith.constant 256 : i32
      %sub3A_274 = arith.subi %add3A_272, %sub3A_273 : i32
      %add3A_275 = vector.broadcast %sub3A_274 : i32 to vector<16xi32>
      %add3A_276 = arith.addi %broadcast_in_dim3A_2, %add3A_275 : vector<16xi32>
      %scan3A_277 = arith.constant 0 : i32
      %scan3A_278 = arith.constant 0 : i32
      %scan3A_279 = arith.constant 32 : i32
      %scan3A_280 = arith.addi %scan3A_278, %scan3A_279 : i32
      %scan3A_281 = arith.constant 1 : i32
      %scan3A_282 = scf.for %scan3A_404 = %scan3A_278 to %scan3A_280 step %scan3A_281 iter_args(%scan3A_405 = %scan3A_277) -> (i32)  : i32 {
        %mul3A_406 = arith.constant 256 : i32
        %mul3A_407 = arith.muli %scan3A_404, %mul3A_406 : i32
        %add3A_408 = vector.broadcast %mul3A_407 : i32 to vector<16xi32>
        %add3A_409 = arith.addi %add3A_408, %add3A_276 : vector<16xi32>
        %gather3A = tpu.vector_load_idx %arg6[%add3A_409] : memref<8192xf32, #tpu.memory_space<vmem>>[vector<16xi32>], vector<16xf32>,
        %swap3A = arith.constant 7 : i32
        %swap3A_410 = arith.index_cast %swap3A : i32 to index
        %swap3A_411 = arith.index_cast %scan3A_404 : i32 to index
        %swap3A_412 = arith.constant 0 : index
        %swap3A_413 = tpu.vector_load %arg7[%swap3A_410, %swap3A_411, %swap3A_412] {strides = array<i32>} : memref<16x32x32xf32, #tpu.memory_space<vmem>>, vector<16xf32>,
        tpu.vector_store %arg7[%swap3A_410, %swap3A_411, %swap3A_412], %gather3A {strides = array<i32>} : memref<16x32x32xf32, #tpu.memory_space<vmem>>, vector<16xf32>,
        %swap3A_414 = arith.constant 7 : i32
        %swap3A_415 = arith.index_cast %swap3A_414 : i32 to index
        %swap3A_416 = arith.index_cast %scan3A_404 : i32 to index
        %swap3A_417 = arith.constant 16 : index
        %swap3A_418 = tpu.vector_load %arg7[%swap3A_415, %swap3A_416, %swap3A_417] {strides = array<i32>} : memref<16x32x32xf32, #tpu.memory_space<vmem>>, vector<16xf32>,
        tpu.vector_store %arg7[%swap3A_415, %swap3A_416, %swap3A_417], %gather3A {strides = array<i32>} : memref<16x32x32xf32, #tpu.memory_space<vmem>>, vector<16xf32>,
        %scan3A_419 = arith.constant 0 : i32
        scf.yield %scan3A_419 : i32
      }
      %scan3A_283 = arith.constant 32 : i32
      %mul3A_284 = arith.constant 16 : i32
      %mul3A_285 = arith.muli %add3A, %mul3A_284 : i32
      %add3A_286 = arith.constant 8 : i32
      %add3A_287 = arith.addi %mul3A_285, %add3A_286 : i32
      %sub3A_288 = arith.constant 256 : i32
      %sub3A_289 = arith.subi %add3A_287, %sub3A_288 : i32
      %add3A_290 = vector.broadcast %sub3A_289 : i32 to vector<16xi32>
      %add3A_291 = arith.addi %broadcast_in_dim3A_2, %add3A_290 : vector<16xi32>
      %scan3A_292 = arith.constant 0 : i32
      %scan3A_293 = arith.constant 0 : i32
      %scan3A_294 = arith.constant 32 : i32
      %scan3A_295 = arith.addi %scan3A_293, %scan3A_294 : i32
      %scan3A_296 = arith.constant 1 : i32
      %scan3A_297 = scf.for %scan3A_404 = %scan3A_293 to %scan3A_295 step %scan3A_296 iter_args(%scan3A_405 = %scan3A_292) -> (i32)  : i32 {
        %mul3A_406 = arith.constant 256 : i32
        %mul3A_407 = arith.muli %scan3A_404, %mul3A_406 : i32
        %add3A_408 = vector.broadcast %mul3A_407 : i32 to vector<16xi32>
        %add3A_409 = arith.addi %add3A_408, %add3A_291 : vector<16xi32>
        %gather3A = tpu.vector_load_idx %arg6[%add3A_409] : memref<8192xf32, #tpu.memory_space<vmem>>[vector<16xi32>], vector<16xf32>,
        %swap3A = arith.constant 8 : i32
        %swap3A_410 = arith.index_cast %swap3A : i32 to index
        %swap3A_411 = arith.index_cast %scan3A_404 : i32 to index
        %swap3A_412 = arith.constant 0 : index
        %swap3A_413 = tpu.vector_load %arg7[%swap3A_410, %swap3A_411, %swap3A_412] {strides = array<i32>} : memref<16x32x32xf32, #tpu.memory_space<vmem>>, vector<16xf32>,
        tpu.vector_store %arg7[%swap3A_410, %swap3A_411, %swap3A_412], %gather3A {strides = array<i32>} : memref<16x32x32xf32, #tpu.memory_space<vmem>>, vector<16xf32>,
        %swap3A_414 = arith.constant 8 : i32
        %swap3A_415 = arith.index_cast %swap3A_414 : i32 to index
        %swap3A_416 = arith.index_cast %scan3A_404 : i32 to index
        %swap3A_417 = arith.constant 16 : index
        %swap3A_418 = tpu.vector_load %arg7[%swap3A_415, %swap3A_416, %swap3A_417] {strides = array<i32>} : memref<16x32x32xf32, #tpu.memory_space<vmem>>, vector<16xf32>,
        tpu.vector_store %arg7[%swap3A_415, %swap3A_416, %swap3A_417], %gather3A {strides = array<i32>} : memref<16x32x32xf32, #tpu.memory_space<vmem>>, vector<16xf32>,
        %scan3A_419 = arith.constant 0 : i32
        scf.yield %scan3A_419 : i32
      }
      %scan3A_298 = arith.constant 32 : i32
      %mul3A_299 = arith.constant 16 : i32
      %mul3A_300 = arith.muli %add3A, %mul3A_299 : i32
      %add3A_301 = arith.constant 9 : i32
      %add3A_302 = arith.addi %mul3A_300, %add3A_301 : i32
      %sub3A_303 = arith.constant 256 : i32
      %sub3A_304 = arith.subi %add3A_302, %sub3A_303 : i32
      %add3A_305 = vector.broadcast %sub3A_304 : i32 to vector<16xi32>
      %add3A_306 = arith.addi %broadcast_in_dim3A_2, %add3A_305 : vector<16xi32>
      %scan3A_307 = arith.constant 0 : i32
      %scan3A_308 = arith.constant 0 : i32
      %scan3A_309 = arith.constant 32 : i32
      %scan3A_310 = arith.addi %scan3A_308, %scan3A_309 : i32
      %scan3A_311 = arith.constant 1 : i32
      %scan3A_312 = scf.for %scan3A_404 = %scan3A_308 to %scan3A_310 step %scan3A_311 iter_args(%scan3A_405 = %scan3A_307) -> (i32)  : i32 {
        %mul3A_406 = arith.constant 256 : i32
        %mul3A_407 = arith.muli %scan3A_404, %mul3A_406 : i32
        %add3A_408 = vector.broadcast %mul3A_407 : i32 to vector<16xi32>
        %add3A_409 = arith.addi %add3A_408, %add3A_306 : vector<16xi32>
        %gather3A = tpu.vector_load_idx %arg6[%add3A_409] : memref<8192xf32, #tpu.memory_space<vmem>>[vector<16xi32>], vector<16xf32>,
        %swap3A = arith.constant 9 : i32
        %swap3A_410 = arith.index_cast %swap3A : i32 to index
        %swap3A_411 = arith.index_cast %scan3A_404 : i32 to index
        %swap3A_412 = arith.constant 0 : index
        %swap3A_413 = tpu.vector_load %arg7[%swap3A_410, %swap3A_411, %swap3A_412] {strides = array<i32>} : memref<16x32x32xf32, #tpu.memory_space<vmem>>, vector<16xf32>,
        tpu.vector_store %arg7[%swap3A_410, %swap3A_411, %swap3A_412], %gather3A {strides = array<i32>} : memref<16x32x32xf32, #tpu.memory_space<vmem>>, vector<16xf32>,
        %swap3A_414 = arith.constant 9 : i32
        %swap3A_415 = arith.index_cast %swap3A_414 : i32 to index
        %swap3A_416 = arith.index_cast %scan3A_404 : i32 to index
        %swap3A_417 = arith.constant 16 : index
        %swap3A_418 = tpu.vector_load %arg7[%swap3A_415, %swap3A_416, %swap3A_417] {strides = array<i32>} : memref<16x32x32xf32, #tpu.memory_space<vmem>>, vector<16xf32>,
        tpu.vector_store %arg7[%swap3A_415, %swap3A_416, %swap3A_417], %gather3A {strides = array<i32>} : memref<16x32x32xf32, #tpu.memory_space<vmem>>, vector<16xf32>,
        %scan3A_419 = arith.constant 0 : i32
        scf.yield %scan3A_419 : i32
      }
      %scan3A_313 = arith.constant 32 : i32
      %mul3A_314 = arith.constant 16 : i32
      %mul3A_315 = arith.muli %add3A, %mul3A_314 : i32
      %add3A_316 = arith.constant 10 : i32
      %add3A_317 = arith.addi %mul3A_315, %add3A_316 : i32
      %sub3A_318 = arith.constant 256 : i32
      %sub3A_319 = arith.subi %add3A_317, %sub3A_318 : i32
      %add3A_320 = vector.broadcast %sub3A_319 : i32 to vector<16xi32>
      %add3A_321 = arith.addi %broadcast_in_dim3A_2, %add3A_320 : vector<16xi32>
      %scan3A_322 = arith.constant 0 : i32
      %scan3A_323 = arith.constant 0 : i32
      %scan3A_324 = arith.constant 32 : i32
      %scan3A_325 = arith.addi %scan3A_323, %scan3A_324 : i32
      %scan3A_326 = arith.constant 1 : i32
      %scan3A_327 = scf.for %scan3A_404 = %scan3A_323 to %scan3A_325 step %scan3A_326 iter_args(%scan3A_405 = %scan3A_322) -> (i32)  : i32 {
        %mul3A_406 = arith.constant 256 : i32
        %mul3A_407 = arith.muli %scan3A_404, %mul3A_406 : i32
        %add3A_408 = vector.broadcast %mul3A_407 : i32 to vector<16xi32>
        %add3A_409 = arith.addi %add3A_408, %add3A_321 : vector<16xi32>
        %gather3A = tpu.vector_load_idx %arg6[%add3A_409] : memref<8192xf32, #tpu.memory_space<vmem>>[vector<16xi32>], vector<16xf32>,
        %swap3A = arith.constant 10 : i32
        %swap3A_410 = arith.index_cast %swap3A : i32 to index
        %swap3A_411 = arith.index_cast %scan3A_404 : i32 to index
        %swap3A_412 = arith.constant 0 : index
        %swap3A_413 = tpu.vector_load %arg7[%swap3A_410, %swap3A_411, %swap3A_412] {strides = array<i32>} : memref<16x32x32xf32, #tpu.memory_space<vmem>>, vector<16xf32>,
        tpu.vector_store %arg7[%swap3A_410, %swap3A_411, %swap3A_412], %gather3A {strides = array<i32>} : memref<16x32x32xf32, #tpu.memory_space<vmem>>, vector<16xf32>,
        %swap3A_414 = arith.constant 10 : i32
        %swap3A_415 = arith.index_cast %swap3A_414 : i32 to index
        %swap3A_416 = arith.index_cast %scan3A_404 : i32 to index
        %swap3A_417 = arith.constant 16 : index
        %swap3A_418 = tpu.vector_load %arg7[%swap3A_415, %swap3A_416, %swap3A_417] {strides = array<i32>} : memref<16x32x32xf32, #tpu.memory_space<vmem>>, vector<16xf32>,
        tpu.vector_store %arg7[%swap3A_415, %swap3A_416, %swap3A_417], %gather3A {strides = array<i32>} : memref<16x32x32xf32, #tpu.memory_space<vmem>>, vector<16xf32>,
        %scan3A_419 = arith.constant 0 : i32
        scf.yield %scan3A_419 : i32
      }
      %scan3A_328 = arith.constant 32 : i32
      %mul3A_329 = arith.constant 16 : i32
      %mul3A_330 = arith.muli %add3A, %mul3A_329 : i32
      %add3A_331 = arith.constant 11 : i32
      %add3A_332 = arith.addi %mul3A_330, %add3A_331 : i32
      %sub3A_333 = arith.constant 256 : i32
      %sub3A_334 = arith.subi %add3A_332, %sub3A_333 : i32
      %add3A_335 = vector.broadcast %sub3A_334 : i32 to vector<16xi32>
      %add3A_336 = arith.addi %broadcast_in_dim3A_2, %add3A_335 : vector<16xi32>
      %scan3A_337 = arith.constant 0 : i32
      %scan3A_338 = arith.constant 0 : i32
      %scan3A_339 = arith.constant 32 : i32
      %scan3A_340 = arith.addi %scan3A_338, %scan3A_339 : i32
      %scan3A_341 = arith.constant 1 : i32
      %scan3A_342 = scf.for %scan3A_404 = %scan3A_338 to %scan3A_340 step %scan3A_341 iter_args(%scan3A_405 = %scan3A_337) -> (i32)  : i32 {
        %mul3A_406 = arith.constant 256 : i32
        %mul3A_407 = arith.muli %scan3A_404, %mul3A_406 : i32
        %add3A_408 = vector.broadcast %mul3A_407 : i32 to vector<16xi32>
        %add3A_409 = arith.addi %add3A_408, %add3A_336 : vector<16xi32>
        %gather3A = tpu.vector_load_idx %arg6[%add3A_409] : memref<8192xf32, #tpu.memory_space<vmem>>[vector<16xi32>], vector<16xf32>,
        %swap3A = arith.constant 11 : i32
        %swap3A_410 = arith.index_cast %swap3A : i32 to index
        %swap3A_411 = arith.index_cast %scan3A_404 : i32 to index
        %swap3A_412 = arith.constant 0 : index
        %swap3A_413 = tpu.vector_load %arg7[%swap3A_410, %swap3A_411, %swap3A_412] {strides = array<i32>} : memref<16x32x32xf32, #tpu.memory_space<vmem>>, vector<16xf32>,
        tpu.vector_store %arg7[%swap3A_410, %swap3A_411, %swap3A_412], %gather3A {strides = array<i32>} : memref<16x32x32xf32, #tpu.memory_space<vmem>>, vector<16xf32>,
        %swap3A_414 = arith.constant 11 : i32
        %swap3A_415 = arith.index_cast %swap3A_414 : i32 to index
        %swap3A_416 = arith.index_cast %scan3A_404 : i32 to index
        %swap3A_417 = arith.constant 16 : index
        %swap3A_418 = tpu.vector_load %arg7[%swap3A_415, %swap3A_416, %swap3A_417] {strides = array<i32>} : memref<16x32x32xf32, #tpu.memory_space<vmem>>, vector<16xf32>,
        tpu.vector_store %arg7[%swap3A_415, %swap3A_416, %swap3A_417], %gather3A {strides = array<i32>} : memref<16x32x32xf32, #tpu.memory_space<vmem>>, vector<16xf32>,
        %scan3A_419 = arith.constant 0 : i32
        scf.yield %scan3A_419 : i32
      }
      %scan3A_343 = arith.constant 32 : i32
      %mul3A_344 = arith.constant 16 : i32
      %mul3A_345 = arith.muli %add3A, %mul3A_344 : i32
      %add3A_346 = arith.constant 12 : i32
      %add3A_347 = arith.addi %mul3A_345, %add3A_346 : i32
      %sub3A_348 = arith.constant 256 : i32
      %sub3A_349 = arith.subi %add3A_347, %sub3A_348 : i32
      %add3A_350 = vector.broadcast %sub3A_349 : i32 to vector<16xi32>
      %add3A_351 = arith.addi %broadcast_in_dim3A_2, %add3A_350 : vector<16xi32>
      %scan3A_352 = arith.constant 0 : i32
      %scan3A_353 = arith.constant 0 : i32
      %scan3A_354 = arith.constant 32 : i32
      %scan3A_355 = arith.addi %scan3A_353, %scan3A_354 : i32
      %scan3A_356 = arith.constant 1 : i32
      %scan3A_357 = scf.for %scan3A_404 = %scan3A_353 to %scan3A_355 step %scan3A_356 iter_args(%scan3A_405 = %scan3A_352) -> (i32)  : i32 {
        %mul3A_406 = arith.constant 256 : i32
        %mul3A_407 = arith.muli %scan3A_404, %mul3A_406 : i32
        %add3A_408 = vector.broadcast %mul3A_407 : i32 to vector<16xi32>
        %add3A_409 = arith.addi %add3A_408, %add3A_351 : vector<16xi32>
        %gather3A = tpu.vector_load_idx %arg6[%add3A_409] : memref<8192xf32, #tpu.memory_space<vmem>>[vector<16xi32>], vector<16xf32>,
        %swap3A = arith.constant 12 : i32
        %swap3A_410 = arith.index_cast %swap3A : i32 to index
        %swap3A_411 = arith.index_cast %scan3A_404 : i32 to index
        %swap3A_412 = arith.constant 0 : index
        %swap3A_413 = tpu.vector_load %arg7[%swap3A_410, %swap3A_411, %swap3A_412] {strides = array<i32>} : memref<16x32x32xf32, #tpu.memory_space<vmem>>, vector<16xf32>,
        tpu.vector_store %arg7[%swap3A_410, %swap3A_411, %swap3A_412], %gather3A {strides = array<i32>} : memref<16x32x32xf32, #tpu.memory_space<vmem>>, vector<16xf32>,
        %swap3A_414 = arith.constant 12 : i32
        %swap3A_415 = arith.index_cast %swap3A_414 : i32 to index
        %swap3A_416 = arith.index_cast %scan3A_404 : i32 to index
        %swap3A_417 = arith.constant 16 : index
        %swap3A_418 = tpu.vector_load %arg7[%swap3A_415, %swap3A_416, %swap3A_417] {strides = array<i32>} : memref<16x32x32xf32, #tpu.memory_space<vmem>>, vector<16xf32>,
        tpu.vector_store %arg7[%swap3A_415, %swap3A_416, %swap3A_417], %gather3A {strides = array<i32>} : memref<16x32x32xf32, #tpu.memory_space<vmem>>, vector<16xf32>,
        %scan3A_419 = arith.constant 0 : i32
        scf.yield %scan3A_419 : i32
      }
      %scan3A_358 = arith.constant 32 : i32
      %mul3A_359 = arith.constant 16 : i32
      %mul3A_360 = arith.muli %add3A, %mul3A_359 : i32
      %add3A_361 = arith.constant 13 : i32
      %add3A_362 = arith.addi %mul3A_360, %add3A_361 : i32
      %sub3A_363 = arith.constant 256 : i32
      %sub3A_364 = arith.subi %add3A_362, %sub3A_363 : i32
      %add3A_365 = vector.broadcast %sub3A_364 : i32 to vector<16xi32>
      %add3A_366 = arith.addi %broadcast_in_dim3A_2, %add3A_365 : vector<16xi32>
      %scan3A_367 = arith.constant 0 : i32
      %scan3A_368 = arith.constant 0 : i32
      %scan3A_369 = arith.constant 32 : i32
      %scan3A_370 = arith.addi %scan3A_368, %scan3A_369 : i32
      %scan3A_371 = arith.constant 1 : i32
      %scan3A_372 = scf.for %scan3A_404 = %scan3A_368 to %scan3A_370 step %scan3A_371 iter_args(%scan3A_405 = %scan3A_367) -> (i32)  : i32 {
        %mul3A_406 = arith.constant 256 : i32
        %mul3A_407 = arith.muli %scan3A_404, %mul3A_406 : i32
        %add3A_408 = vector.broadcast %mul3A_407 : i32 to vector<16xi32>
        %add3A_409 = arith.addi %add3A_408, %add3A_366 : vector<16xi32>
        %gather3A = tpu.vector_load_idx %arg6[%add3A_409] : memref<8192xf32, #tpu.memory_space<vmem>>[vector<16xi32>], vector<16xf32>,
        %swap3A = arith.constant 13 : i32
        %swap3A_410 = arith.index_cast %swap3A : i32 to index
        %swap3A_411 = arith.index_cast %scan3A_404 : i32 to index
        %swap3A_412 = arith.constant 0 : index
        %swap3A_413 = tpu.vector_load %arg7[%swap3A_410, %swap3A_411, %swap3A_412] {strides = array<i32>} : memref<16x32x32xf32, #tpu.memory_space<vmem>>, vector<16xf32>,
        tpu.vector_store %arg7[%swap3A_410, %swap3A_411, %swap3A_412], %gather3A {strides = array<i32>} : memref<16x32x32xf32, #tpu.memory_space<vmem>>, vector<16xf32>,
        %swap3A_414 = arith.constant 13 : i32
        %swap3A_415 = arith.index_cast %swap3A_414 : i32 to index
        %swap3A_416 = arith.index_cast %scan3A_404 : i32 to index
        %swap3A_417 = arith.constant 16 : index
        %swap3A_418 = tpu.vector_load %arg7[%swap3A_415, %swap3A_416, %swap3A_417] {strides = array<i32>} : memref<16x32x32xf32, #tpu.memory_space<vmem>>, vector<16xf32>,
        tpu.vector_store %arg7[%swap3A_415, %swap3A_416, %swap3A_417], %gather3A {strides = array<i32>} : memref<16x32x32xf32, #tpu.memory_space<vmem>>, vector<16xf32>,
        %scan3A_419 = arith.constant 0 : i32
        scf.yield %scan3A_419 : i32
      }
      %scan3A_373 = arith.constant 32 : i32
      %mul3A_374 = arith.constant 16 : i32
      %mul3A_375 = arith.muli %add3A, %mul3A_374 : i32
      %add3A_376 = arith.constant 14 : i32
      %add3A_377 = arith.addi %mul3A_375, %add3A_376 : i32
      %sub3A_378 = arith.constant 256 : i32
      %sub3A_379 = arith.subi %add3A_377, %sub3A_378 : i32
      %add3A_380 = vector.broadcast %sub3A_379 : i32 to vector<16xi32>
      %add3A_381 = arith.addi %broadcast_in_dim3A_2, %add3A_380 : vector<16xi32>
      %scan3A_382 = arith.constant 0 : i32
      %scan3A_383 = arith.constant 0 : i32
      %scan3A_384 = arith.constant 32 : i32
      %scan3A_385 = arith.addi %scan3A_383, %scan3A_384 : i32
      %scan3A_386 = arith.constant 1 : i32
      %scan3A_387 = scf.for %scan3A_404 = %scan3A_383 to %scan3A_385 step %scan3A_386 iter_args(%scan3A_405 = %scan3A_382) -> (i32)  : i32 {
        %mul3A_406 = arith.constant 256 : i32
        %mul3A_407 = arith.muli %scan3A_404, %mul3A_406 : i32
        %add3A_408 = vector.broadcast %mul3A_407 : i32 to vector<16xi32>
        %add3A_409 = arith.addi %add3A_408, %add3A_381 : vector<16xi32>
        %gather3A = tpu.vector_load_idx %arg6[%add3A_409] : memref<8192xf32, #tpu.memory_space<vmem>>[vector<16xi32>], vector<16xf32>,
        %swap3A = arith.constant 14 : i32
        %swap3A_410 = arith.index_cast %swap3A : i32 to index
        %swap3A_411 = arith.index_cast %scan3A_404 : i32 to index
        %swap3A_412 = arith.constant 0 : index
        %swap3A_413 = tpu.vector_load %arg7[%swap3A_410, %swap3A_411, %swap3A_412] {strides = array<i32>} : memref<16x32x32xf32, #tpu.memory_space<vmem>>, vector<16xf32>,
        tpu.vector_store %arg7[%swap3A_410, %swap3A_411, %swap3A_412], %gather3A {strides = array<i32>} : memref<16x32x32xf32, #tpu.memory_space<vmem>>, vector<16xf32>,
        %swap3A_414 = arith.constant 14 : i32
        %swap3A_415 = arith.index_cast %swap3A_414 : i32 to index
        %swap3A_416 = arith.index_cast %scan3A_404 : i32 to index
        %swap3A_417 = arith.constant 16 : index
        %swap3A_418 = tpu.vector_load %arg7[%swap3A_415, %swap3A_416, %swap3A_417] {strides = array<i32>} : memref<16x32x32xf32, #tpu.memory_space<vmem>>, vector<16xf32>,
        tpu.vector_store %arg7[%swap3A_415, %swap3A_416, %swap3A_417], %gather3A {strides = array<i32>} : memref<16x32x32xf32, #tpu.memory_space<vmem>>, vector<16xf32>,
        %scan3A_419 = arith.constant 0 : i32
        scf.yield %scan3A_419 : i32
      }
      %scan3A_388 = arith.constant 32 : i32
      %mul3A_389 = arith.constant 16 : i32
      %mul3A_390 = arith.muli %add3A, %mul3A_389 : i32
      %add3A_391 = arith.constant 15 : i32
      %add3A_392 = arith.addi %mul3A_390, %add3A_391 : i32
      %sub3A_393 = arith.constant 256 : i32
      %sub3A_394 = arith.subi %add3A_392, %sub3A_393 : i32
      %add3A_395 = vector.broadcast %sub3A_394 : i32 to vector<16xi32>
      %add3A_396 = arith.addi %broadcast_in_dim3A_2, %add3A_395 : vector<16xi32>
      %scan3A_397 = arith.constant 0 : i32
      %scan3A_398 = arith.constant 0 : i32
      %scan3A_399 = arith.constant 32 : i32
      %scan3A_400 = arith.addi %scan3A_398, %scan3A_399 : i32
      %scan3A_401 = arith.constant 1 : i32
      %scan3A_402 = scf.for %scan3A_404 = %scan3A_398 to %scan3A_400 step %scan3A_401 iter_args(%scan3A_405 = %scan3A_397) -> (i32)  : i32 {
        %mul3A_406 = arith.constant 256 : i32
        %mul3A_407 = arith.muli %scan3A_404, %mul3A_406 : i32
        %add3A_408 = vector.broadcast %mul3A_407 : i32 to vector<16xi32>
        %add3A_409 = arith.addi %add3A_408, %add3A_396 : vector<16xi32>
        %gather3A = tpu.vector_load_idx %arg6[%add3A_409] : memref<8192xf32, #tpu.memory_space<vmem>>[vector<16xi32>], vector<16xf32>,
        %swap3A = arith.constant 15 : i32
        %swap3A_410 = arith.index_cast %swap3A : i32 to index
        %swap3A_411 = arith.index_cast %scan3A_404 : i32 to index
        %swap3A_412 = arith.constant 0 : index
        %swap3A_413 = tpu.vector_load %arg7[%swap3A_410, %swap3A_411, %swap3A_412] {strides = array<i32>} : memref<16x32x32xf32, #tpu.memory_space<vmem>>, vector<16xf32>,
        tpu.vector_store %arg7[%swap3A_410, %swap3A_411, %swap3A_412], %gather3A {strides = array<i32>} : memref<16x32x32xf32, #tpu.memory_space<vmem>>, vector<16xf32>,
        %swap3A_414 = arith.constant 15 : i32
        %swap3A_415 = arith.index_cast %swap3A_414 : i32 to index
        %swap3A_416 = arith.index_cast %scan3A_404 : i32 to index
        %swap3A_417 = arith.constant 16 : index
        %swap3A_418 = tpu.vector_load %arg7[%swap3A_415, %swap3A_416, %swap3A_417] {strides = array<i32>} : memref<16x32x32xf32, #tpu.memory_space<vmem>>, vector<16xf32>,
        tpu.vector_store %arg7[%swap3A_415, %swap3A_416, %swap3A_417], %gather3A {strides = array<i32>} : memref<16x32x32xf32, #tpu.memory_space<vmem>>, vector<16xf32>,
        %scan3A_419 = arith.constant 0 : i32
        scf.yield %scan3A_419 : i32
      }
      %scan3A_403 = arith.constant 32 : i32
    } else {
    }
    %mul3A_8 = arith.constant 16 : i32
    %mul3A_9 = arith.muli %add3A, %mul3A_8 : i32
    %dma_start3A = arith.constant 0 : i32
    %dma_start3A_10 = arith.constant 0 : i32
    %dma_start3A_11 = arith.constant 0 : i32
    %dma_start3A_12 = tpu.memref_slice %arg4[%dma_start3A, %mul3A_9, %dma_start3A_10, %dma_start3A_11] : memref<8x512x32x32xf32, #tpu.memory_space<hbm>> -> memref<1x16x32x32xf32, #tpu.memory_space<hbm>>
    %dma_start3A_13 = tpu.memref_squeeze %dma_start3A_12 : memref<1x16x32x32xf32, #tpu.memory_space<hbm>> -> memref<16x32x32xf32, #tpu.memory_space<hbm>>
    %dma_start3A_14 = arith.constant 0 : i32
    %dma_start3A_15 = arith.constant 0 : i32
    %dma_start3A_16 = tpu.memref_slice %arg4[%dma_start3A, %mul3A_9, %dma_start3A_14, %dma_start3A_15] : memref<8x512x32x32xf32, #tpu.memory_space<hbm>> -> memref<1x16x32x32xf32, #tpu.memory_space<hbm>>
    %dma_start3A_17 = tpu.memref_squeeze %dma_start3A_16 : memref<1x16x32x32xf32, #tpu.memory_space<hbm>> -> memref<16x32x32xf32, #tpu.memory_space<hbm>>
    tpu.enqueue_dma source(%arg7 : memref<16x32x32xf32, #tpu.memory_space<vmem>>) target(%dma_start3A_17 : memref<16x32x32xf32, #tpu.memory_space<hbm>>) target_semaphore(%arg8 : memref<!tpu.dma_semaphore, #tpu.memory_space<semaphore_mem>>)
    %mul3A_18 = arith.constant 16 : i32
    %mul3A_19 = arith.muli %add3A, %mul3A_18 : i32
    %dma_start3A_20 = arith.constant 1 : i32
    %dma_start3A_21 = arith.constant 0 : i32
    %dma_start3A_22 = arith.constant 0 : i32
    %dma_start3A_23 = tpu.memref_slice %arg4[%dma_start3A_20, %mul3A_19, %dma_start3A_21, %dma_start3A_22] : memref<8x512x32x32xf32, #tpu.memory_space<hbm>> -> memref<1x16x32x32xf32, #tpu.memory_space<hbm>>
    %dma_start3A_24 = tpu.memref_squeeze %dma_start3A_23 : memref<1x16x32x32xf32, #tpu.memory_space<hbm>> -> memref<16x32x32xf32, #tpu.memory_space<hbm>>
    %dma_start3A_25 = arith.constant 0 : i32
    %dma_start3A_26 = arith.constant 0 : i32
    %dma_start3A_27 = tpu.memref_slice %arg4[%dma_start3A_20, %mul3A_19, %dma_start3A_25, %dma_start3A_26] : memref<8x512x32x32xf32, #tpu.memory_space<hbm>> -> memref<1x16x32x32xf32, #tpu.memory_space<hbm>>
    %dma_start3A_28 = tpu.memref_squeeze %dma_start3A_27 : memref<1x16x32x32xf32, #tpu.memory_space<hbm>> -> memref<16x32x32xf32, #tpu.memory_space<hbm>>
    tpu.enqueue_dma source(%arg7 : memref<16x32x32xf32, #tpu.memory_space<vmem>>) target(%dma_start3A_28 : memref<16x32x32xf32, #tpu.memory_space<hbm>>) target_semaphore(%arg8 : memref<!tpu.dma_semaphore, #tpu.memory_space<semaphore_mem>>)
    %mul3A_29 = arith.constant 16 : i32
    %mul3A_30 = arith.muli %add3A, %mul3A_29 : i32
    %dma_start3A_31 = arith.constant 2 : i32
    %dma_start3A_32 = arith.constant 0 : i32
    %dma_start3A_33 = arith.constant 0 : i32
    %dma_start3A_34 = tpu.memref_slice %arg4[%dma_start3A_31, %mul3A_30, %dma_start3A_32, %dma_start3A_33] : memref<8x512x32x32xf32, #tpu.memory_space<hbm>> -> memref<1x16x32x32xf32, #tpu.memory_space<hbm>>
    %dma_start3A_35 = tpu.memref_squeeze %dma_start3A_34 : memref<1x16x32x32xf32, #tpu.memory_space<hbm>> -> memref<16x32x32xf32, #tpu.memory_space<hbm>>
    %dma_start3A_36 = arith.constant 0 : i32
    %dma_start3A_37 = arith.constant 0 : i32
    %dma_start3A_38 = tpu.memref_slice %arg4[%dma_start3A_31, %mul3A_30, %dma_start3A_36, %dma_start3A_37] : memref<8x512x32x32xf32, #tpu.memory_space<hbm>> -> memref<1x16x32x32xf32, #tpu.memory_space<hbm>>
    %dma_start3A_39 = tpu.memref_squeeze %dma_start3A_38 : memref<1x16x32x32xf32, #tpu.memory_space<hbm>> -> memref<16x32x32xf32, #tpu.memory_space<hbm>>
    tpu.enqueue_dma source(%arg7 : memref<16x32x32xf32, #tpu.memory_space<vmem>>) target(%dma_start3A_39 : memref<16x32x32xf32, #tpu.memory_space<hbm>>) target_semaphore(%arg8 : memref<!tpu.dma_semaphore, #tpu.memory_space<semaphore_mem>>)
    %mul3A_40 = arith.constant 16 : i32
    %mul3A_41 = arith.muli %add3A, %mul3A_40 : i32
    %dma_start3A_42 = arith.constant 3 : i32
    %dma_start3A_43 = arith.constant 0 : i32
    %dma_start3A_44 = arith.constant 0 : i32
    %dma_start3A_45 = tpu.memref_slice %arg4[%dma_start3A_42, %mul3A_41, %dma_start3A_43, %dma_start3A_44] : memref<8x512x32x32xf32, #tpu.memory_space<hbm>> -> memref<1x16x32x32xf32, #tpu.memory_space<hbm>>
    %dma_start3A_46 = tpu.memref_squeeze %dma_start3A_45 : memref<1x16x32x32xf32, #tpu.memory_space<hbm>> -> memref<16x32x32xf32, #tpu.memory_space<hbm>>
    %dma_start3A_47 = arith.constant 0 : i32
    %dma_start3A_48 = arith.constant 0 : i32
    %dma_start3A_49 = tpu.memref_slice %arg4[%dma_start3A_42, %mul3A_41, %dma_start3A_47, %dma_start3A_48] : memref<8x512x32x32xf32, #tpu.memory_space<hbm>> -> memref<1x16x32x32xf32, #tpu.memory_space<hbm>>
    %dma_start3A_50 = tpu.memref_squeeze %dma_start3A_49 : memref<1x16x32x32xf32, #tpu.memory_space<hbm>> -> memref<16x32x32xf32, #tpu.memory_space<hbm>>
    tpu.enqueue_dma source(%arg7 : memref<16x32x32xf32, #tpu.memory_space<vmem>>) target(%dma_start3A_50 : memref<16x32x32xf32, #tpu.memory_space<hbm>>) target_semaphore(%arg8 : memref<!tpu.dma_semaphore, #tpu.memory_space<semaphore_mem>>)
    %mul3A_51 = arith.constant 16 : i32
    %mul3A_52 = arith.muli %add3A, %mul3A_51 : i32
    %dma_start3A_53 = arith.constant 4 : i32
    %dma_start3A_54 = arith.constant 0 : i32
    %dma_start3A_55 = arith.constant 0 : i32
    %dma_start3A_56 = tpu.memref_slice %arg4[%dma_start3A_53, %mul3A_52, %dma_start3A_54, %dma_start3A_55] : memref<8x512x32x32xf32, #tpu.memory_space<hbm>> -> memref<1x16x32x32xf32, #tpu.memory_space<hbm>>
    %dma_start3A_57 = tpu.memref_squeeze %dma_start3A_56 : memref<1x16x32x32xf32, #tpu.memory_space<hbm>> -> memref<16x32x32xf32, #tpu.memory_space<hbm>>
    %dma_start3A_58 = arith.constant 0 : i32
    %dma_start3A_59 = arith.constant 0 : i32
    %dma_start3A_60 = tpu.memref_slice %arg4[%dma_start3A_53, %mul3A_52, %dma_start3A_58, %dma_start3A_59] : memref<8x512x32x32xf32, #tpu.memory_space<hbm>> -> memref<1x16x32x32xf32, #tpu.memory_space<hbm>>
    %dma_start3A_61 = tpu.memref_squeeze %dma_start3A_60 : memref<1x16x32x32xf32, #tpu.memory_space<hbm>> -> memref<16x32x32xf32, #tpu.memory_space<hbm>>
    tpu.enqueue_dma source(%arg7 : memref<16x32x32xf32, #tpu.memory_space<vmem>>) target(%dma_start3A_61 : memref<16x32x32xf32, #tpu.memory_space<hbm>>) target_semaphore(%arg8 : memref<!tpu.dma_semaphore, #tpu.memory_space<semaphore_mem>>)
    %mul3A_62 = arith.constant 16 : i32
    %mul3A_63 = arith.muli %add3A, %mul3A_62 : i32
    %dma_start3A_64 = arith.constant 5 : i32
    %dma_start3A_65 = arith.constant 0 : i32
    %dma_start3A_66 = arith.constant 0 : i32
    %dma_start3A_67 = tpu.memref_slice %arg4[%dma_start3A_64, %mul3A_63, %dma_start3A_65, %dma_start3A_66] : memref<8x512x32x32xf32, #tpu.memory_space<hbm>> -> memref<1x16x32x32xf32, #tpu.memory_space<hbm>>
    %dma_start3A_68 = tpu.memref_squeeze %dma_start3A_67 : memref<1x16x32x32xf32, #tpu.memory_space<hbm>> -> memref<16x32x32xf32, #tpu.memory_space<hbm>>
    %dma_start3A_69 = arith.constant 0 : i32
    %dma_start3A_70 = arith.constant 0 : i32
    %dma_start3A_71 = tpu.memref_slice %arg4[%dma_start3A_64, %mul3A_63, %dma_start3A_69, %dma_start3A_70] : memref<8x512x32x32xf32, #tpu.memory_space<hbm>> -> memref<1x16x32x32xf32, #tpu.memory_space<hbm>>
    %dma_start3A_72 = tpu.memref_squeeze %dma_start3A_71 : memref<1x16x32x32xf32, #tpu.memory_space<hbm>> -> memref<16x32x32xf32, #tpu.memory_space<hbm>>
    tpu.enqueue_dma source(%arg7 : memref<16x32x32xf32, #tpu.memory_space<vmem>>) target(%dma_start3A_72 : memref<16x32x32xf32, #tpu.memory_space<hbm>>) target_semaphore(%arg8 : memref<!tpu.dma_semaphore, #tpu.memory_space<semaphore_mem>>)
    %mul3A_73 = arith.constant 16 : i32
    %mul3A_74 = arith.muli %add3A, %mul3A_73 : i32
    %dma_start3A_75 = arith.constant 6 : i32
    %dma_start3A_76 = arith.constant 0 : i32
    %dma_start3A_77 = arith.constant 0 : i32
    %dma_start3A_78 = tpu.memref_slice %arg4[%dma_start3A_75, %mul3A_74, %dma_start3A_76, %dma_start3A_77] : memref<8x512x32x32xf32, #tpu.memory_space<hbm>> -> memref<1x16x32x32xf32, #tpu.memory_space<hbm>>
    %dma_start3A_79 = tpu.memref_squeeze %dma_start3A_78 : memref<1x16x32x32xf32, #tpu.memory_space<hbm>> -> memref<16x32x32xf32, #tpu.memory_space<hbm>>
    %dma_start3A_80 = arith.constant 0 : i32
    %dma_start3A_81 = arith.constant 0 : i32
    %dma_start3A_82 = tpu.memref_slice %arg4[%dma_start3A_75, %mul3A_74, %dma_start3A_80, %dma_start3A_81] : memref<8x512x32x32xf32, #tpu.memory_space<hbm>> -> memref<1x16x32x32xf32, #tpu.memory_space<hbm>>
    %dma_start3A_83 = tpu.memref_squeeze %dma_start3A_82 : memref<1x16x32x32xf32, #tpu.memory_space<hbm>> -> memref<16x32x32xf32, #tpu.memory_space<hbm>>
    tpu.enqueue_dma source(%arg7 : memref<16x32x32xf32, #tpu.memory_space<vmem>>) target(%dma_start3A_83 : memref<16x32x32xf32, #tpu.memory_space<hbm>>) target_semaphore(%arg8 : memref<!tpu.dma_semaphore, #tpu.memory_space<semaphore_mem>>)
    %mul3A_84 = arith.constant 16 : i32
    %mul3A_85 = arith.muli %add3A, %mul3A_84 : i32
    %dma_start3A_86 = arith.constant 7 : i32
    %dma_start3A_87 = arith.constant 0 : i32
    %dma_start3A_88 = arith.constant 0 : i32
    %dma_start3A_89 = tpu.memref_slice %arg4[%dma_start3A_86, %mul3A_85, %dma_start3A_87, %dma_start3A_88] : memref<8x512x32x32xf32, #tpu.memory_space<hbm>> -> memref<1x16x32x32xf32, #tpu.memory_space<hbm>>
    %dma_start3A_90 = tpu.memref_squeeze %dma_start3A_89 : memref<1x16x32x32xf32, #tpu.memory_space<hbm>> -> memref<16x32x32xf32, #tpu.memory_space<hbm>>
    %dma_start3A_91 = arith.constant 0 : i32
    %dma_start3A_92 = arith.constant 0 : i32
    %dma_start3A_93 = tpu.memref_slice %arg4[%dma_start3A_86, %mul3A_85, %dma_start3A_91, %dma_start3A_92] : memref<8x512x32x32xf32, #tpu.memory_space<hbm>> -> memref<1x16x32x32xf32, #tpu.memory_space<hbm>>
    %dma_start3A_94 = tpu.memref_squeeze %dma_start3A_93 : memref<1x16x32x32xf32, #tpu.memory_space<hbm>> -> memref<16x32x32xf32, #tpu.memory_space<hbm>>
    tpu.enqueue_dma source(%arg7 : memref<16x32x32xf32, #tpu.memory_space<vmem>>) target(%dma_start3A_94 : memref<16x32x32xf32, #tpu.memory_space<hbm>>) target_semaphore(%arg8 : memref<!tpu.dma_semaphore, #tpu.memory_space<semaphore_mem>>)
    %dma_wait3A = arith.constant 0 : i32
    %dma_wait3A_95 = arith.constant 0 : i32
    %dma_wait3A_96 = arith.constant 0 : i32
    %dma_wait3A_97 = tpu.memref_slice %arg4[%dma_wait3A, %mul3A_9, %dma_wait3A_95, %dma_wait3A_96] : memref<8x512x32x32xf32, #tpu.memory_space<hbm>> -> memref<1x16x32x32xf32, #tpu.memory_space<hbm>>
    %dma_wait3A_98 = tpu.memref_squeeze %dma_wait3A_97 : memref<1x16x32x32xf32, #tpu.memory_space<hbm>> -> memref<16x32x32xf32, #tpu.memory_space<hbm>>
    %dma_wait3A_99 = arith.constant 0 : i32
    %dma_wait3A_100 = arith.constant 0 : i32
    %dma_wait3A_101 = tpu.memref_slice %arg4[%dma_wait3A, %mul3A_9, %dma_wait3A_99, %dma_wait3A_100] : memref<8x512x32x32xf32, #tpu.memory_space<hbm>> -> memref<1x16x32x32xf32, #tpu.memory_space<hbm>>
    %dma_wait3A_102 = tpu.memref_squeeze %dma_wait3A_101 : memref<1x16x32x32xf32, #tpu.memory_space<hbm>> -> memref<16x32x32xf32, #tpu.memory_space<hbm>>
    tpu.wait_dma2 semaphore(%arg8 : memref<!tpu.dma_semaphore, #tpu.memory_space<semaphore_mem>>) src(%arg7 : memref<16x32x32xf32, #tpu.memory_space<vmem>>) dst(%dma_wait3A_102 : memref<16x32x32xf32, #tpu.memory_space<hbm>>)
    %dma_wait3A_103 = arith.constant 1 : i32
    %dma_wait3A_104 = arith.constant 0 : i32
    %dma_wait3A_105 = arith.constant 0 : i32
    %dma_wait3A_106 = tpu.memref_slice %arg4[%dma_wait3A_103, %mul3A_19, %dma_wait3A_104, %dma_wait3A_105] : memref<8x512x32x32xf32, #tpu.memory_space<hbm>> -> memref<1x16x32x32xf32, #tpu.memory_space<hbm>>
    %dma_wait3A_107 = tpu.memref_squeeze %dma_wait3A_106 : memref<1x16x32x32xf32, #tpu.memory_space<hbm>> -> memref<16x32x32xf32, #tpu.memory_space<hbm>>
    %dma_wait3A_108 = arith.constant 0 : i32
    %dma_wait3A_109 = arith.constant 0 : i32
    %dma_wait3A_110 = tpu.memref_slice %arg4[%dma_wait3A_103, %mul3A_19, %dma_wait3A_108, %dma_wait3A_109] : memref<8x512x32x32xf32, #tpu.memory_space<hbm>> -> memref<1x16x32x32xf32, #tpu.memory_space<hbm>>
    %dma_wait3A_111 = tpu.memref_squeeze %dma_wait3A_110 : memref<1x16x32x32xf32, #tpu.memory_space<hbm>> -> memref<16x32x32xf32, #tpu.memory_space<hbm>>
    tpu.wait_dma2 semaphore(%arg8 : memref<!tpu.dma_semaphore, #tpu.memory_space<semaphore_mem>>) src(%arg7 : memref<16x32x32xf32, #tpu.memory_space<vmem>>) dst(%dma_wait3A_111 : memref<16x32x32xf32, #tpu.memory_space<hbm>>)
    %dma_wait3A_112 = arith.constant 2 : i32
    %dma_wait3A_113 = arith.constant 0 : i32
    %dma_wait3A_114 = arith.constant 0 : i32
    %dma_wait3A_115 = tpu.memref_slice %arg4[%dma_wait3A_112, %mul3A_30, %dma_wait3A_113, %dma_wait3A_114] : memref<8x512x32x32xf32, #tpu.memory_space<hbm>> -> memref<1x16x32x32xf32, #tpu.memory_space<hbm>>
    %dma_wait3A_116 = tpu.memref_squeeze %dma_wait3A_115 : memref<1x16x32x32xf32, #tpu.memory_space<hbm>> -> memref<16x32x32xf32, #tpu.memory_space<hbm>>
    %dma_wait3A_117 = arith.constant 0 : i32
    %dma_wait3A_118 = arith.constant 0 : i32
    %dma_wait3A_119 = tpu.memref_slice %arg4[%dma_wait3A_112, %mul3A_30, %dma_wait3A_117, %dma_wait3A_118] : memref<8x512x32x32xf32, #tpu.memory_space<hbm>> -> memref<1x16x32x32xf32, #tpu.memory_space<hbm>>
    %dma_wait3A_120 = tpu.memref_squeeze %dma_wait3A_119 : memref<1x16x32x32xf32, #tpu.memory_space<hbm>> -> memref<16x32x32xf32, #tpu.memory_space<hbm>>
    tpu.wait_dma2 semaphore(%arg8 : memref<!tpu.dma_semaphore, #tpu.memory_space<semaphore_mem>>) src(%arg7 : memref<16x32x32xf32, #tpu.memory_space<vmem>>) dst(%dma_wait3A_120 : memref<16x32x32xf32, #tpu.memory_space<hbm>>)
    %dma_wait3A_121 = arith.constant 3 : i32
    %dma_wait3A_122 = arith.constant 0 : i32
    %dma_wait3A_123 = arith.constant 0 : i32
    %dma_wait3A_124 = tpu.memref_slice %arg4[%dma_wait3A_121, %mul3A_41, %dma_wait3A_122, %dma_wait3A_123] : memref<8x512x32x32xf32, #tpu.memory_space<hbm>> -> memref<1x16x32x32xf32, #tpu.memory_space<hbm>>
    %dma_wait3A_125 = tpu.memref_squeeze %dma_wait3A_124 : memref<1x16x32x32xf32, #tpu.memory_space<hbm>> -> memref<16x32x32xf32, #tpu.memory_space<hbm>>
    %dma_wait3A_126 = arith.constant 0 : i32
    %dma_wait3A_127 = arith.constant 0 : i32
    %dma_wait3A_128 = tpu.memref_slice %arg4[%dma_wait3A_121, %mul3A_41, %dma_wait3A_126, %dma_wait3A_127] : memref<8x512x32x32xf32, #tpu.memory_space<hbm>> -> memref<1x16x32x32xf32, #tpu.memory_space<hbm>>
    %dma_wait3A_129 = tpu.memref_squeeze %dma_wait3A_128 : memref<1x16x32x32xf32, #tpu.memory_space<hbm>> -> memref<16x32x32xf32, #tpu.memory_space<hbm>>
    tpu.wait_dma2 semaphore(%arg8 : memref<!tpu.dma_semaphore, #tpu.memory_space<semaphore_mem>>) src(%arg7 : memref<16x32x32xf32, #tpu.memory_space<vmem>>) dst(%dma_wait3A_129 : memref<16x32x32xf32, #tpu.memory_space<hbm>>)
    %dma_wait3A_130 = arith.constant 4 : i32
    %dma_wait3A_131 = arith.constant 0 : i32
    %dma_wait3A_132 = arith.constant 0 : i32
    %dma_wait3A_133 = tpu.memref_slice %arg4[%dma_wait3A_130, %mul3A_52, %dma_wait3A_131, %dma_wait3A_132] : memref<8x512x32x32xf32, #tpu.memory_space<hbm>> -> memref<1x16x32x32xf32, #tpu.memory_space<hbm>>
    %dma_wait3A_134 = tpu.memref_squeeze %dma_wait3A_133 : memref<1x16x32x32xf32, #tpu.memory_space<hbm>> -> memref<16x32x32xf32, #tpu.memory_space<hbm>>
    %dma_wait3A_135 = arith.constant 0 : i32
    %dma_wait3A_136 = arith.constant 0 : i32
    %dma_wait3A_137 = tpu.memref_slice %arg4[%dma_wait3A_130, %mul3A_52, %dma_wait3A_135, %dma_wait3A_136] : memref<8x512x32x32xf32, #tpu.memory_space<hbm>> -> memref<1x16x32x32xf32, #tpu.memory_space<hbm>>
    %dma_wait3A_138 = tpu.memref_squeeze %dma_wait3A_137 : memref<1x16x32x32xf32, #tpu.memory_space<hbm>> -> memref<16x32x32xf32, #tpu.memory_space<hbm>>
    tpu.wait_dma2 semaphore(%arg8 : memref<!tpu.dma_semaphore, #tpu.memory_space<semaphore_mem>>) src(%arg7 : memref<16x32x32xf32, #tpu.memory_space<vmem>>) dst(%dma_wait3A_138 : memref<16x32x32xf32, #tpu.memory_space<hbm>>)
    %dma_wait3A_139 = arith.constant 5 : i32
    %dma_wait3A_140 = arith.constant 0 : i32
    %dma_wait3A_141 = arith.constant 0 : i32
    %dma_wait3A_142 = tpu.memref_slice %arg4[%dma_wait3A_139, %mul3A_63, %dma_wait3A_140, %dma_wait3A_141] : memref<8x512x32x32xf32, #tpu.memory_space<hbm>> -> memref<1x16x32x32xf32, #tpu.memory_space<hbm>>
    %dma_wait3A_143 = tpu.memref_squeeze %dma_wait3A_142 : memref<1x16x32x32xf32, #tpu.memory_space<hbm>> -> memref<16x32x32xf32, #tpu.memory_space<hbm>>
    %dma_wait3A_144 = arith.constant 0 : i32
    %dma_wait3A_145 = arith.constant 0 : i32
    %dma_wait3A_146 = tpu.memref_slice %arg4[%dma_wait3A_139, %mul3A_63, %dma_wait3A_144, %dma_wait3A_145] : memref<8x512x32x32xf32, #tpu.memory_space<hbm>> -> memref<1x16x32x32xf32, #tpu.memory_space<hbm>>
    %dma_wait3A_147 = tpu.memref_squeeze %dma_wait3A_146 : memref<1x16x32x32xf32, #tpu.memory_space<hbm>> -> memref<16x32x32xf32, #tpu.memory_space<hbm>>
    tpu.wait_dma2 semaphore(%arg8 : memref<!tpu.dma_semaphore, #tpu.memory_space<semaphore_mem>>) src(%arg7 : memref<16x32x32xf32, #tpu.memory_space<vmem>>) dst(%dma_wait3A_147 : memref<16x32x32xf32, #tpu.memory_space<hbm>>)
    %dma_wait3A_148 = arith.constant 6 : i32
    %dma_wait3A_149 = arith.constant 0 : i32
    %dma_wait3A_150 = arith.constant 0 : i32
    %dma_wait3A_151 = tpu.memref_slice %arg4[%dma_wait3A_148, %mul3A_74, %dma_wait3A_149, %dma_wait3A_150] : memref<8x512x32x32xf32, #tpu.memory_space<hbm>> -> memref<1x16x32x32xf32, #tpu.memory_space<hbm>>
    %dma_wait3A_152 = tpu.memref_squeeze %dma_wait3A_151 : memref<1x16x32x32xf32, #tpu.memory_space<hbm>> -> memref<16x32x32xf32, #tpu.memory_space<hbm>>
    %dma_wait3A_153 = arith.constant 0 : i32
    %dma_wait3A_154 = arith.constant 0 : i32
    %dma_wait3A_155 = tpu.memref_slice %arg4[%dma_wait3A_148, %mul3A_74, %dma_wait3A_153, %dma_wait3A_154] : memref<8x512x32x32xf32, #tpu.memory_space<hbm>> -> memref<1x16x32x32xf32, #tpu.memory_space<hbm>>
    %dma_wait3A_156 = tpu.memref_squeeze %dma_wait3A_155 : memref<1x16x32x32xf32, #tpu.memory_space<hbm>> -> memref<16x32x32xf32, #tpu.memory_space<hbm>>
    tpu.wait_dma2 semaphore(%arg8 : memref<!tpu.dma_semaphore, #tpu.memory_space<semaphore_mem>>) src(%arg7 : memref<16x32x32xf32, #tpu.memory_space<vmem>>) dst(%dma_wait3A_156 : memref<16x32x32xf32, #tpu.memory_space<hbm>>)
    %dma_wait3A_157 = arith.constant 7 : i32
    %dma_wait3A_158 = arith.constant 0 : i32
    %dma_wait3A_159 = arith.constant 0 : i32
    %dma_wait3A_160 = tpu.memref_slice %arg4[%dma_wait3A_157, %mul3A_85, %dma_wait3A_158, %dma_wait3A_159] : memref<8x512x32x32xf32, #tpu.memory_space<hbm>> -> memref<1x16x32x32xf32, #tpu.memory_space<hbm>>
    %dma_wait3A_161 = tpu.memref_squeeze %dma_wait3A_160 : memref<1x16x32x32xf32, #tpu.memory_space<hbm>> -> memref<16x32x32xf32, #tpu.memory_space<hbm>>
    %dma_wait3A_162 = arith.constant 0 : i32
    %dma_wait3A_163 = arith.constant 0 : i32
    %dma_wait3A_164 = tpu.memref_slice %arg4[%dma_wait3A_157, %mul3A_85, %dma_wait3A_162, %dma_wait3A_163] : memref<8x512x32x32xf32, #tpu.memory_space<hbm>> -> memref<1x16x32x32xf32, #tpu.memory_space<hbm>>
    %dma_wait3A_165 = tpu.memref_squeeze %dma_wait3A_164 : memref<1x16x32x32xf32, #tpu.memory_space<hbm>> -> memref<16x32x32xf32, #tpu.memory_space<hbm>>
    tpu.wait_dma2 semaphore(%arg8 : memref<!tpu.dma_semaphore, #tpu.memory_space<semaphore_mem>>) src(%arg7 : memref<16x32x32xf32, #tpu.memory_space<vmem>>) dst(%dma_wait3A_165 : memref<16x32x32xf32, #tpu.memory_space<hbm>>)
    return
  }
}

</mosaic_0001>

<sc_bundles>
// kernel: kernel.3.cloned.1.call-start
scs
__scs_entry_jumppad:
0x0: {  	(pc) =	sbr.rel $0x88, $3  }
0x1: {  	(tag) =	ssettag $0x0;
	lr =	simm.s32 $0x1  }
0x2: {  	[smem:$0x3F9F] =	sst lr;
	_ =	strace $0xD0000000  }
0x3: {  	_ = 	snop  }
0x4: {  	_ = 	snop  }
0x5: {  	_ = 	snop  }
0x6: {  	_ = 	snop  }
0x7: {  	_ = 	snop  }
__scs_overlays_trampoline_lowered:
0x8: {  	[smem:$0x3FAE] =	sst s0  }
0x9: {  	[smem:$0x3FAF] =	sst s1  }
0xa: {  	[smem:$0x3FB0] =	sst s2  }
0xb: {  	[smem:$0x3FB1] =	sst s3  }
0xc: {  	[smem:$0x3FB2] =	sst s4  }
0xd: {  	[smem:$0x3FB3] =	sst s5  }
0xe: {  	[smem:$0x3FB4] =	sst s6  }
0xf: {  	[smem:$0x3FB5] =	sst s7  }
0x10: {  	[smem:$0x3FB6] =	sst s8  }
0x11: {  	[smem:$0x3FB7] =	sst s9;
	s0 =	simm.s32 @!p0 $0x0  }
0x12: {  	s1 =	sld [smem:$0x3F9D];
	s0 =	simm.s32 @p0 $0x1  }
0x13: {  	[smem:$0x3FB8] =	sst s0;
	s0 =	simm.s32 @!p1 $0x0  }
0x14: {  	s2 =	sld [smem:$0x3F9C];
	s0 =	simm.s32 @p1 $0x1  }
0x15: {  	[smem:$0x3FB9] =	sst s0;
	s0 =	simm.s32 @!p2 $0x0  }
0x16: {  	s3 =	sld [smem:$0x3FDB];
	s0 =	simm.s32 @p2 $0x1  }
0x17: {  	s4 =	simm.s32 $0x1BF5;
	[smem:$0x3FBB] =	sst s0  }
0x18: {  	s0 =	sld [smem:$0x3F9E];
	_ =	swait.ge [sflag:s4], $0x0  }
0x19: {  	s7 =	sld [smem:$0x3F9F]  }
0x1a: {  	s8 =	sadd.s32 $0xFFFFE003, lr  }
0x1b: {  	s9 =	sadd.s32 $0xFFFFFEF7, lr;
	s5 =	simm.s32 $0xFFFFFFFF;
	p2 =	slt.u32 s8, $0xFFFFF086  }
0x1c: {  	p1 =	slt.u32 s9, $0xF7A;
	s5 =	simm.s32 @!p2 $0x0  }
0x1d: {  	s5 =	simm.s32 @p1 $0x1;
	p0 =	seq.s32 s7, s2  }
0x1e: {  	s7 =	smul.u32 @!p0 $0xF7A, s2;
	p2 =	seq.s32 @!p0 s5, $0x0  }
0x1f: {  	s9 =	smul.u32 $0xF7A, s1;
	s8 =	simm.s32 @!p0 $0x1BF5;
	p2 =	por !p2, p0  }
0x20: {  	[sflag:s8] =	ssyncset.s32 @!p0 $0xFFFFF086;
	s6 =	sadd.s32 @!p0 s3, s7;
	s7 =	simm.s32 @!p0 $0x108  }
0x21: {  	s3 =	sadd.s32 s3, s9;
	s6 =	sadd.s32 @!p0 $0x88, s6;
	s7 =	simm.s32 @p2 $0x1082  }
0x22: {  	[simem:s7], [sflag:s8] =	dma.local @!p0 [hbm:s6], $0xF7A  }
0x23: {  	s9 =	sor.u32 $0xD0000000, s2;
	s6 =	simm.s32 $0x108;
	_ =	swait.ge @!p0 [sflag:s8], $0x0  }
0x24: {  	s3 =	sadd.s32 $0x88, s3;
	s6 =	simm.s32 @!p1 $0x1082;
	[sflag:s4] =	ssyncset.s32 $0xFFFFF086  }
0x25: {  	[simem:s6], [sflag:s4] =	dma.local [hbm:s3], $0xF7A  }
0x26: {  	[smem:$0x3F9F] =	sst s1;
	(tag) =	ssettag s2;
	_ =	strace s9  }
0x27: {  	s1 =	sld [smem:$0x3FAF]  }
0x28: {  	s2 =	sld [smem:$0x3FB0]  }
0x29: {  	s4 =	sld [smem:$0x3FB2]  }
0x2a: {  	p0 =	seq.s32 s5, $0x0;
	s5 =	sld [smem:$0x3FB3]  }
0x2b: {  	s6 =	sld [smem:$0x3FB4]  }
0x2c: {  	s7 =	sld [smem:$0x3FB5]  }
0x2d: {  	s3 =	simm.s32 $0x108;
	s8 =	sld [smem:$0x3FB6]  }
0x2e: {  	s3 =	simm.s32 @!p0 $0x1082;
	s9 =	sld [smem:$0x3FB7]  }
0x2f: {  	lr =	sadd.s32 s0, s3;
	s0 =	sld [smem:$0x3FAE]  }
0x30: {  	s3 =	sld [smem:$0x3FB1]  }
0x31: {  	[smem:$0x3FBA] =	sst s10  }
0x32: {  	s10 =	sld [smem:$0x3FB8];
	_ =	sdelay $0x3  }
0x33: {  	p0 =	seq.s32 s10, $0x1;
	s10 =	sld [smem:$0x3FBA];
	_ =	sdelay $0x3  }
0x34: {  	[smem:$0x3FBA] =	sst s10  }
0x35: {  	s10 =	sld [smem:$0x3FB9];
	_ =	sdelay $0x3  }
0x36: {  	p1 =	seq.s32 s10, $0x1;
	s10 =	sld [smem:$0x3FBA];
	_ =	sdelay $0x3  }
0x37: {  	[smem:$0x3FBA] =	sst s10  }
0x38: {  	s10 =	sld [smem:$0x3FBB]  }
0x39: {  	_ = 	snop;
	(pc) =	sbr.ind lr, $3  }
0x3a: {  	_ = 	snop  }
0x3b: {  	_ = 	snop  }
0x3c: {  	p2 =	seq.s32 s10, $0x1;
	s10 =	sld [smem:$0x3FBA]  }
0x3d: {  	_ =	shalt  }
0x3e: {  	_ =	shalt  }
0x3f: {  	_ =	shalt  }
0x40: {  	_ =	shalt  }
0x41: {  	_ =	shalt  }
0x42: {  	_ =	shalt  }
0x43: {  	_ =	shalt  }
0x44: {  	_ =	shalt  }
0x45: {  	_ =	shalt  }
0x46: {  	_ =	shalt  }
0x47: {  	_ =	shalt  }
0x48: {  	_ =	shalt  }
0x49: {  	_ =	shalt  }
0x4a: {  	_ =	shalt  }
0x4b: {  	_ =	shalt  }
0x4c: {  	_ =	shalt  }
0x4d: {  	_ =	shalt  }
0x4e: {  	_ =	shalt  }
0x4f: {  	_ =	shalt  }
0x50: {  	_ =	shalt  }
0x51: {  	_ =	shalt  }
0x52: {  	_ =	shalt  }
0x53: {  	_ =	shalt  }
0x54: {  	_ =	shalt  }
0x55: {  	_ =	shalt  }
0x56: {  	_ =	shalt  }
0x57: {  	_ =	shalt  }
0x58: {  	_ =	shalt  }
0x59: {  	_ =	shalt  }
0x5a: {  	_ =	shalt  }
0x5b: {  	_ =	shalt  }
0x5c: {  	_ =	shalt  }
0x5d: {  	_ =	shalt  }
0x5e: {  	_ =	shalt  }
0x5f: {  	_ =	shalt  }
0x60: {  	_ =	shalt  }
0x61: {  	_ =	shalt  }
0x62: {  	_ =	shalt  }
0x63: {  	_ =	shalt  }
0x64: {  	_ =	shalt  }
0x65: {  	_ =	shalt  }
0x66: {  	_ =	shalt  }
0x67: {  	_ =	shalt  }
0x68: {  	_ =	shalt  }
0x69: {  	_ =	shalt  }
0x6a: {  	_ =	shalt  }
0x6b: {  	_ =	shalt  }
0x6c: {  	_ =	shalt  }
0x6d: {  	_ =	shalt  }
0x6e: {  	_ =	shalt  }
0x6f: {  	_ =	shalt  }
0x70: {  	_ =	shalt  }
0x71: {  	_ =	shalt  }
0x72: {  	_ =	shalt  }
0x73: {  	_ =	shalt  }
0x74: {  	_ =	shalt  }
0x75: {  	_ =	shalt  }
0x76: {  	_ =	shalt  }
0x77: {  	_ =	shalt  }
0x78: {  	_ =	shalt  }
0x79: {  	_ =	shalt  }
0x7a: {  	_ =	shalt  }
0x7b: {  	_ =	shalt  }
0x7c: {  	_ =	shalt  }
0x7d: {  	_ =	shalt  }
0x7e: {  	_ =	shalt  }
0x7f: {  	_ =	shalt  }
0x80: {  	_ =	shalt  }
0x81: {  	_ =	shalt  }
0x82: {  	_ =	shalt  }
0x83: {  	_ =	shalt  }
0x84: {  	_ =	shalt  }
0x85: {  	_ =	shalt  }
0x86: {  	_ =	shalt  }
0x87: {  	_ =	shalt  }
.Lfunc_end0:
.L_simem_size_0:
called_computation_lowered:
.L_overlay_start_0:
0x88: {  	s2 =	sld [smem:$0x3FD9]  }
0x89: {  	s3 =	sld [smem:$0x3FFE];
	_ =	sdelay $0x1  }
0x8a: {  	s1 =	srdreg.scid  }
0x8b: {  	s0 =	sand.u32 $0x1, s1  }
0x8c: {  	s17 =	sshll.u32 s0, $0xA;
	s2 =	sadd.s32 s3, s2  }
0x8d: {  	s2 =	sadd.s32 s2, s17  }
0x8e: {  	[smem:$0x3FC6] =	sst s2  }
0x8f: {  	_ = 	snop  }
0x90: {  	s2 =	sld [smem:$0x3FD0];
	(tm) =	ssettm $0x1  }
0x91: {  	s18 =	sld [smem:$0x3FFB];
	_ =	sdelay $0x3  }
0x92: {  	_ =	strace s18  }
0x93: {  	s3 =	sld [smem:$0x3FFC];
	_ =	sdelay $0x3  }
0x94: {  	_ =	strace s3  }
0x95: {  	s3 =	sld [smem:$0x3FFD];
	_ =	sdelay $0x3  }
0x96: {  	_ =	strace s3  }
0x97: {  	_ =	strace $0x8FFFFFFF  }
0x98: {  	s19 =	sld [smem:$0x3FDB];
	_ =	sdelay $0x1  }
0x99: {  	s4 =	simm.s32 $_scs_section_size  }
0x9a: {  	s5 =	simm.s32 $_size__tile_overlayer_lowered;
	s6 =	simm.s32 $_tile_overlayer_lowered  }
0x9b: {  	s22 =	simm.s32 $0x1BFF;
	s21 =	sshll.u32 s6, $0x1;
	s3 =	sadd.s32 s4, s19  }
0x9c: {  	s7 =	simm.s32 $0x0;
	s20 =	sshll.u32 s5, $0x1;
	s5 =	sadd.s32 s21, s3  }
0x9d: {  	[timem:s7], [sflag:s22] =	dma.local [hbm:s5], s20  }
0x9e: {  	_ =	swait.ge [sflag:s22], s20  }
0x9f: {  	s4 =	ssub.s32 $0x0, s20;
	[sflag:s22] =	ssyncset.done $0x0  }
0xa0: {  	[sflag:s22] =	ssyncadd.s32 s4;
	_ =	sdelay $0x1  }
0xa1: {  	s23 =	simm.s32 $0x1B8B  }
0xa2: {  	_ =	swait.ge [sflag:s23], $0x1  }
0xa3: {  	[sflag:s23] =	ssyncset.done $0x0  }
0xa4: {  	s25 =	simm.s32 $0x1B8E;
	s24 =	sld [smem:$0x3FFE];
	[sflag:s23] =	ssyncadd.s32 $0xFFFFFFFF  }
0xa5: {  	s26 =	simm.s32 $execute0_lowered;
	[smem:$0x3FD2] =	sst s25  }
0xa6: {  	s5 =	sshll.u32 s26, $0x1;
	_ =	strace $0x80000046;
	[dreg:$0x1] =	wrdreg $0xFFFFFFFF  }
0xa7: {  	s28 =	simm.s32 $_size_execute0_lowered;
	s3 =	sadd.s32 s3, s5;
	[dreg:$0x0] =	wrdreg $0x0  }
0xa8: {  	s5 =	sshll.u32 s28, $0x1;
	[dreg:$0x2] =	wrdreg s3  }
0xa9: {  	[dreg:$0x3] =	wrdreg s5  }
0xaa: {  	[dreg:$0x4] =	wrdreg $0xC0  }
0xab: {  	_ =	task [dreg:s7], $0x5FFFF  }
0xac: {  	[dreg:$0x1] =	wrdreg $0xFFFFFFFF  }
0xad: {  	[dreg:$0x0] =	wrdreg $0x60  }
0xae: {  	[dreg:$0x2] =	wrdreg s2  }
0xaf: {  	[dreg:$0x3] =	wrdreg s24  }
0xb0: {  	[dreg:$0x4] =	wrdreg $0x9  }
0xb1: {  	_ =	task.clear_ibuf [dreg:s7], $0x5FFFF;
	_ =	strace $0x90000046  }
0xb2: {  	s29 =	simm.s32 $0x9;
	_ =	strace $0x80000048  }
0xb3: {  	_ =	swait.ge [sflag:s29], $0x1  }
0xb4: {  	[sflag:s29] =	ssyncadd.s32 $0xFFFFFFFF  }
0xb5: {  	_ =	strace $0x90000048  }
0xb6: {  	_ =	sfence  }
0xb7: {  	s30 =	sld [smem:$0x0];
	_ =	sdelay $0x2  }
0xb8: {  	s31 =	sshll.u32 s1, $0xD;
	s1 =	sshrl.u32 s1, $0x2  }
0xb9: {  	s3 =	sand.u32 $0x4000, s31;
	s1 =	sadd.s32 s1, s30  }
0xba: {  	s0 =	sor.u32 s3, s0;
	s1 =	sshll.u32 s1, $0x11  }
0xbb: {  	s0 =	sor.u32 s1, s0  }
0xbc: {  	s0 =	sadd.s32 $0x8F2B, s0  }
0xbd: {  	[sflag:s0] =	ssyncadd.remote.s32 $0x1  }
0xbe: {  	_ =	sfence.sel $0xFFFF  }
0xbf: {  	[dreg:$0x0] =	wrdreg $0xFFFFFFFF;
	(pc) =	sbr.abs _section_cstart, $3  }
0xc0: {  	[dreg:$0x1] =	wrdreg $0xFFFFFFFF  }
0xc1: {  	_ =	task.clear_ibuf [dreg:s7], $0x2FFFF;
	_ =	strace $0x9FFFFFFF  }
0xc2: {  	(tm) =	ssettm $0x7FFFFFFF  }
0xc3: {  	_ =	shalt  }
tec
execute0_lowered:
.L_overlay_start_1:
0x0: {  	(tag) =	ssettag $0x1  }
0x1: {  	s0 =	rddreg [dreg:$0x1];
	s3 =	simm.s32 $0x0;
	s1 =	srdreg.scid  }
0x2: {  	s2 =	stileid.u32;
	[smem:$0x7FF] =	sst s3  }
0x3: {  	s1 =	sand.u32 $0x1, s1;
	s2 =	sshll.u32 s2, $0x1;
	s4 =	sadd.s32 $0x400, s0  }
0x4: {  	_ =	strace $0x80000047;
	s2 =	sor.u32 s1, s2;
	s1 =	ssub.s32 $0x2, s1  }
0x5: {  	[dreg:$0x3] =	wrdreg s4;
	s20 =	sshll.u32 s2, $0xD;
	s5 =	sshrl.u32 s1, $0x1  }
0x6: {  	s21 =	sshll.u32 s2, $0x4;
	s2 =	sshllo.u32 s2, $0x4;
	s0 =	sadd.s32 s20, s0  }
0x7: {  	s1 =	ssub.s32 s1, s5;
	s5 =	sadd.s32 $0xFFFFFF00, s21;
	s6 =	sadd.s32 $0xFFFFFF01, s21  }
0x8: {  	s7 =	sadd.s32 $0xFFFFFF02, s21;
	s8 =	sadd.s32 $0xFFFFFF03, s21;
	s9 =	sadd.s32 $0xFFFFFF04, s21  }
0x9: {  	v0 =	vlaneseq.u32;
	s10 =	sadd.s32 $0xFFFFFF05, s21;
	s11 =	sadd.s32 $0xFFFFFF06, s21;
	s12 =	sadd.s32 $0xFFFFFF07, s21  }
0xa: {  	v30 =	vmul.u32 $0x100, v0;
	s13 =	sadd.s32 $0xFFFFFF08, s21;
	s14 =	sadd.s32 $0xFFFFFF09, s21;
	s15 =	sadd.s32 $0xFFFFFF0A, s21  }
0xb: {  	s16 =	sadd.s32 $0xFFFFFF0B, s21;
	s22 =	sor.u32 $0x1, s21;
	s17 =	sadd.s32 $0xFFFFFF0C, s21  }
0xc: {  	v31 =	vor.u32 $0x1000, v30;
	s23 =	sor.u32 $0x2, s21;
	s20 =	sor.u32 $0x3, s21;
	s18 =	sadd.s32 $0xFFFFFF0D, s21  }
0xd: {  	s19 =	sadd.s32 $0xFFFFFF0E, s21;
	s24 =	sor.u32 $0x4, s21;
	s25 =	sor.u32 $0x5, s21;
	v14 =	vor.u32 s21, v30;
	v0 =	vor.u32 s22, v30;
	v1 =	vor.u32 s22, v31  }
0xe: {  	s26 =	sor.u32 $0x7, s21;
	s4 =	sor.u32 $0xA, s21;
	s28 =	sor.u32 $0xC, s21;
	v2 =	vor.u32 s23, v30;
	v4 =	vor.u32 s20, v30;
	v5 =	vor.u32 s20, v31  }
0xf: {  	s31 =	sor.u32 $0xD, s21;
	s20 =	sadd.s32 $0xFFFFFF0F, s21;
	v6 =	vor.u32 s24, v30;
	v7 =	vor.u32 s24, v31;
	s22 =	sor.u32 $0x6, s21;
	v8 =	vor.u32 s25, v30  }
0x10: {  	v9 =	vor.u32 s25, v31;
	s24 =	sor.u32 $0x9, s21;
	v12 =	vor.u32 s26, v30;
	v13 =	vor.u32 s26, v31;
	s25 =	sadd.s32 $0x80C00, s0;
	s26 =	sadd.s32 $0xC0C00, s0  }
0x11: {  	v3 =	vor.u32 s23, v31;
	s23 =	sor.u32 $0x8, s21;
	v24 =	vor.u32 s28, v30;
	v25 =	vor.u32 s28, v31;
	s28 =	sadd.s32 $0x180C00, s0;
	s29 =	sadd.s32 $0x1C0C00, s0  }
0x12: {  	v20 =	vor.u32 s4, v30;
	s30 =	smax.u32 s1, $0x1;
	v26 =	vor.u32 s31, v30;
	v27 =	vor.u32 s31, v31;
	s31 =	simm.s32 $0x2;
	s1 =	simm.s32 $0x1  }
.Ltmp0:
0x13: {  	v21 =	vor.u32 s4, v31;
	s4 =	simm.s32 $0x0;
	v10 =	vor.u32 s22, v30;
	v11 =	vor.u32 s22, v31;
	s22 =	sor.u32 $0xB, s21;
	(pc) =	sbr.rel .LBB2_1-.Ltmp0, $4  }
0x14: {  	v15 =	vor.u32 s21, v31;
	s21 =	sor.u32 $0xE, s21;
	v18 =	vor.u32 s24, v30;
	v19 =	vor.u32 s24, v31;
	s24 =	sadd.s32 $0x40C00, s0;
	[dreg:$0x5] =	wrdreg s25  }
0x15: {  	v16 =	vor.u32 s23, v30;
	v17 =	vor.u32 s23, v31;
	[dreg:$0x6] =	wrdreg s26;
	s25 =	sadd.s32 $0x100C00, s0;
	s26 =	sadd.s32 $0x140C00, s0  }
0x16: {  	s23 =	stileid.u32;
	[dreg:$0x4] =	wrdreg s24;
	v22 =	vor.u32 s22, v30;
	s24 =	sadd.s32 $0xC00, s0;
	v23 =	vor.u32 s22, v31;
	v28 =	vor.u32 s21, v30  }
0x17: {  	p0 =	sgt.u32 s23, $0x7;
	s0 =	simm.s32 $0x2000;
	v29 =	vor.u32 s21, v31;
	v30 =	vor.u32 s2, v30;
	v31 =	vor.u32 s2, v31;
	s2 =	simm.s32 $0x4000  }
.LBB2_59:
0x18: {  	v33 =	vmov s23;
	_ =	sdelay $0x1  }
0x19: {  	s21 =	sadd.s32 $0x80, s21  }
0x1a: {  	[tilespmem:s21+$0x0] =	vst v32  }
0x1b: {  	[tilespmem:s21+$0x10] =	vst v32  }
0x1c: {  	v32 =	vld.idx.msk [tilespmem:v33+s0+$0x0], $0xffff;
	_ =	sdelay $0x3  }
0x1d: {  	s21 =	sadd.s32 $0x80, s21  }
0x1e: {  	[tilespmem:s21+$0x0] =	vst v32  }
0x1f: {  	[tilespmem:s21+$0x10] =	vst v32  }
.LBB2_60:
0x20: {  	[hbm4b:s24+s3] =	stream.linear.scatter [tilespmem:s2], [sflag:$0x1], $0x10000, $0x38;
	[tilespmem:$0x14000] =	vst v63  }
0x21: {  	s21 =	rddreg [dreg:$0x4]  }
0x22: {  	[hbm4b:s21+s3] =	stream.linear.scatter [tilespmem:s2], [sflag:$0x1], $0x10000, $0x38;
	[tilespmem:$0x14000] =	vst v63  }
0x23: {  	s22 =	rddreg [dreg:$0x5]  }
0x24: {  	[hbm4b:s22+s3] =	stream.linear.scatter [tilespmem:s2], [sflag:$0x1], $0x10000, $0x38;
	[tilespmem:$0x14000] =	vst v63  }
0x25: {  	s23 =	rddreg [dreg:$0x6]  }
0x26: {  	[hbm4b:s23+s3] =	stream.linear.scatter [tilespmem:s2], [sflag:$0x1], $0x10000, $0x38;
	[tilespmem:$0x14000] =	vst v63  }
0x27: {  	_ = 	snop  }
0x28: {  	[hbm4b:s25+s3] =	stream.linear.scatter [tilespmem:s2], [sflag:$0x1], $0x10000, $0x38;
	[tilespmem:$0x14000] =	vst v63  }
0x29: {  	_ = 	snop  }
0x2a: {  	[hbm4b:s26+s3] =	stream.linear.scatter [tilespmem:s2], [sflag:$0x1], $0x10000, $0x38;
	[tilespmem:$0x14000] =	vst v63  }
0x2b: {  	_ = 	snop  }
0x2c: {  	[hbm4b:s28+s3] =	stream.linear.scatter [tilespmem:s2], [sflag:$0x1], $0x10000, $0x38;
	[tilespmem:$0x14000] =	vst v63  }
0x2d: {  	_ = 	snop  }
0x2e: {  	[hbm4b:s29+s3] =	stream.linear.scatter [tilespmem:s2], [sflag:$0x1], $0x10000, $0x38;
	[tilespmem:$0x14000] =	vst v63  }
0x2f: {  	_ =	swait.ge [sflag:s1], $0x10000  }
0x30: {  	[sflag:s1] =	ssyncset.done $0x0  }
0x31: {  	[sflag:s1] =	ssyncadd.s32 $0xFFFF0000  }
0x32: {  	_ =	swait.ge [sflag:s1], $0x10000  }
0x33: {  	[sflag:s1] =	ssyncset.done $0x0  }
0x34: {  	[sflag:s1] =	ssyncadd.s32 $0xFFFF0000  }
0x35: {  	_ =	swait.ge [sflag:s1], $0x10000  }
0x36: {  	[sflag:s1] =	ssyncset.done $0x0  }
0x37: {  	[sflag:s1] =	ssyncadd.s32 $0xFFFF0000  }
0x38: {  	_ =	swait.ge [sflag:s1], $0x10000  }
0x39: {  	[sflag:s1] =	ssyncset.done $0x0  }
0x3a: {  	[sflag:s1] =	ssyncadd.s32 $0xFFFF0000  }
0x3b: {  	_ =	swait.ge [sflag:s1], $0x10000  }
0x3c: {  	[sflag:s1] =	ssyncset.done $0x0  }
0x3d: {  	[sflag:s1] =	ssyncadd.s32 $0xFFFF0000  }
0x3e: {  	_ =	swait.ge [sflag:s1], $0x10000  }
0x3f: {  	[sflag:s1] =	ssyncset.done $0x0  }
0x40: {  	s4 =	sadd.s32 $0x1, s4;
	[sflag:s1] =	ssyncadd.s32 $0xFFFF0000  }
0x41: {  	p1 =	sne.s32 s4, s30;
	_ =	swait.ge [sflag:s1], $0x10000  }
.Ltmp1:
0x42: {  	[sflag:s1] =	ssyncset.done $0x0;
	(pc) =	sbr.rel @!p1 .LBB2_61-.Ltmp1, $4  }
0x43: {  	[sflag:s1] =	ssyncadd.s32 $0xFFFF0000  }
0x44: {  	_ =	swait.ge [sflag:s1], $0x10000  }
0x45: {  	[sflag:s1] =	ssyncset.done $0x0  }
0x46: {  	[sflag:s1] =	ssyncadd.s32 $0xFFFF0000  }
.LBB2_1:
0x47: {  	s21 =	rddreg [dreg:$0x3]  }
0x48: {  	[tilespmem:s3], [sflag:$0x2] =	stream.linear.gather [hbm4b:s21+s3], $0x2000, $0x38;
	[tilespmem:$0x14000] =	vst v63  }
0x49: {  	_ =	swait.ge [sflag:s31], $0x2000  }
0x4a: {  	[sflag:s31] =	ssyncset.done $0x0  }
0x4b: {  	[sflag:s31] =	ssyncadd.s32 $0xFFFFE000  }
.Ltmp2:
0x4c: {  	s23 =	rddreg [dreg:$0x0];
	(pc) =	sbr.rel @p0 .LBB2_27-.Ltmp2, $4  }
0x4d: {  	[tilespmem:s0], [sflag:$0x2] =	stream.linear.gather [hbm4b:s23+s3], $0x2000, $0x38;
	[tilespmem:$0x14000] =	vst v63  }
0x4e: {  	_ =	swait.ge [sflag:s31], $0x2000  }
0x4f: {  	[sflag:s31] =	ssyncset.done $0x0  }
0x50: {  	s21 =	simm.s32 $0x4010;
	[sflag:s31] =	ssyncadd.s32 $0xFFFFE000  }
0x51: {  	_ =	sdelay $0x2  }
0x52: {  	s21 =	simm.s32 $0x0  }
0x53: {  	v32 =	vld.idx.msk [tilespmem:v14+s21+$0x0], $0xffff  }
0x54: {  	v33 =	vld.idx.msk [tilespmem:v15+s21+$0x0], $0xffff;
	_ =	sdelay $0x3  }
0x55: {  	[tilespmem:$0x4000] =	vst v32  }
0x56: {  	[tilespmem:$0x4010] =	vst v33  }
0x57: {  	[tilespmem:$0x4080] =	vst v32  }
0x58: {  	[tilespmem:$0x4090] =	vst v33  }
0x59: {  	[tilespmem:$0x4100] =	vst v32  }
0x5a: {  	[tilespmem:$0x4110] =	vst v33  }
0x5b: {  	[tilespmem:$0x4180] =	vst v32  }
0x5c: {  	[tilespmem:$0x4190] =	vst v33  }
0x5d: {  	[tilespmem:$0x4200] =	vst v32  }
0x5e: {  	[tilespmem:$0x4210] =	vst v33  }
0x5f: {  	[tilespmem:$0x4280] =	vst v32  }
0x60: {  	[tilespmem:$0x4290] =	vst v33  }
0x61: {  	[tilespmem:$0x4300] =	vst v32  }
0x62: {  	[tilespmem:$0x4310] =	vst v33  }
0x63: {  	[tilespmem:$0x4380] =	vst v32  }
0x64: {  	[tilespmem:$0x4390] =	vst v33  }
0x65: {  	[tilespmem:$0x4400] =	vst v32  }
0x66: {  	[tilespmem:$0x4410] =	vst v33  }
0x67: {  	[tilespmem:$0x4480] =	vst v32  }
0x68: {  	[tilespmem:$0x4490] =	vst v33  }
0x69: {  	[tilespmem:$0x4500] =	vst v32  }
0x6a: {  	[tilespmem:$0x4510] =	vst v33  }
0x6b: {  	[tilespmem:$0x4580] =	vst v32  }
0x6c: {  	[tilespmem:$0x4590] =	vst v33  }
0x6d: {  	[tilespmem:$0x4600] =	vst v32  }
0x6e: {  	[tilespmem:$0x4610] =	vst v33  }
0x6f: {  	[tilespmem:$0x4680] =	vst v32  }
0x70: {  	[tilespmem:$0x4690] =	vst v33  }
0x71: {  	[tilespmem:$0x4700] =	vst v32  }
0x72: {  	[tilespmem:$0x4710] =	vst v33  }
0x73: {  	[tilespmem:$0x4780] =	vst v32  }
0x74: {  	[tilespmem:$0x4790] =	vst v33  }
0x75: {  	[tilespmem:$0x4800] =	vst v32  }
0x76: {  	[tilespmem:$0x4810] =	vst v33  }
0x77: {  	[tilespmem:$0x4880] =	vst v32  }
0x78: {  	[tilespmem:$0x4890] =	vst v33  }
0x79: {  	[tilespmem:$0x4900] =	vst v32  }
0x7a: {  	[tilespmem:$0x4910] =	vst v33  }
0x7b: {  	[tilespmem:$0x4980] =	vst v32  }
0x7c: {  	[tilespmem:$0x4990] =	vst v33  }
0x7d: {  	[tilespmem:$0x4A00] =	vst v32  }
0x7e: {  	[tilespmem:$0x4A10] =	vst v33  }
0x7f: {  	[tilespmem:$0x4A80] =	vst v32  }
0x80: {  	[tilespmem:$0x4A90] =	vst v33  }
0x81: {  	[tilespmem:$0x4B00] =	vst v32  }
0x82: {  	[tilespmem:$0x4B10] =	vst v33  }
0x83: {  	[tilespmem:$0x4B80] =	vst v32  }
0x84: {  	[tilespmem:$0x4B90] =	vst v33  }
0x85: {  	[tilespmem:$0x4C00] =	vst v32  }
0x86: {  	[tilespmem:$0x4C10] =	vst v33  }
0x87: {  	[tilespmem:$0x4C80] =	vst v32  }
0x88: {  	[tilespmem:$0x4C90] =	vst v33  }
0x89: {  	[tilespmem:$0x4D00] =	vst v32  }
0x8a: {  	[tilespmem:$0x4D10] =	vst v33  }
0x8b: {  	[tilespmem:$0x4D80] =	vst v32  }
0x8c: {  	[tilespmem:$0x4D90] =	vst v33  }
0x8d: {  	[tilespmem:$0x4E00] =	vst v32  }
0x8e: {  	[tilespmem:$0x4E10] =	vst v33  }
0x8f: {  	[tilespmem:$0x4E80] =	vst v32  }
0x90: {  	[tilespmem:$0x4E90] =	vst v33  }
0x91: {  	[tilespmem:$0x4F00] =	vst v32  }
0x92: {  	[tilespmem:$0x4F10] =	vst v33  }
0x93: {  	[tilespmem:$0x4F80] =	vst v32  }
0x94: {  	[tilespmem:$0x4F90] =	vst v33  }
0x95: {  	v32 =	vld.idx.msk [tilespmem:v0+s21+$0x0], $0xffff  }
0x96: {  	v33 =	vld.idx.msk [tilespmem:v1+s21+$0x0], $0xffff;
	_ =	sdelay $0x3  }
0x97: {  	[tilespmem:$0x5000] =	vst v32  }
0x98: {  	[tilespmem:$0x5010] =	vst v33  }
0x99: {  	[tilespmem:$0x5080] =	vst v32  }
0x9a: {  	[tilespmem:$0x5090] =	vst v33  }
0x9b: {  	[tilespmem:$0x5100] =	vst v32  }
0x9c: {  	[tilespmem:$0x5110] =	vst v33  }
0x9d: {  	[tilespmem:$0x5180] =	vst v32  }
0x9e: {  	[tilespmem:$0x5190] =	vst v33  }
0x9f: {  	[tilespmem:$0x5200] =	vst v32  }
0xa0: {  	[tilespmem:$0x5210] =	vst v33  }
0xa1: {  	[tilespmem:$0x5280] =	vst v32  }
0xa2: {  	[tilespmem:$0x5290] =	vst v33  }
0xa3: {  	[tilespmem:$0x5300] =	vst v32  }
0xa4: {  	[tilespmem:$0x5310] =	vst v33  }
0xa5: {  	[tilespmem:$0x5380] =	vst v32  }
0xa6: {  	[tilespmem:$0x5390] =	vst v33  }
0xa7: {  	[tilespmem:$0x5400] =	vst v32  }
0xa8: {  	[tilespmem:$0x5410] =	vst v33  }
0xa9: {  	[tilespmem:$0x5480] =	vst v32  }
0xaa: {  	[tilespmem:$0x5490] =	vst v33  }
0xab: {  	[tilespmem:$0x5500] =	vst v32  }
0xac: {  	[tilespmem:$0x5510] =	vst v33  }
0xad: {  	[tilespmem:$0x5580] =	vst v32  }
0xae: {  	[tilespmem:$0x5590] =	vst v33  }
0xaf: {  	[tilespmem:$0x5600] =	vst v32  }
0xb0: {  	[tilespmem:$0x5610] =	vst v33  }
0xb1: {  	[tilespmem:$0x5680] =	vst v32  }
0xb2: {  	[tilespmem:$0x5690] =	vst v33  }
0xb3: {  	[tilespmem:$0x5700] =	vst v32  }
0xb4: {  	[tilespmem:$0x5710] =	vst v33  }
0xb5: {  	[tilespmem:$0x5780] =	vst v32  }
0xb6: {  	[tilespmem:$0x5790] =	vst v33  }
0xb7: {  	[tilespmem:$0x5800] =	vst v32  }
0xb8: {  	[tilespmem:$0x5810] =	vst v33  }
0xb9: {  	[tilespmem:$0x5880] =	vst v32  }
0xba: {  	[tilespmem:$0x5890] =	vst v33  }
0xbb: {  	[tilespmem:$0x5900] =	vst v32  }
0xbc: {  	[tilespmem:$0x5910] =	vst v33  }
0xbd: {  	[tilespmem:$0x5980] =	vst v32  }
0xbe: {  	[tilespmem:$0x5990] =	vst v33  }
0xbf: {  	[tilespmem:$0x5A00] =	vst v32  }
0xc0: {  	[tilespmem:$0x5A10] =	vst v33  }
0xc1: {  	[tilespmem:$0x5A80] =	vst v32  }
0xc2: {  	[tilespmem:$0x5A90] =	vst v33  }
0xc3: {  	[tilespmem:$0x5B00] =	vst v32  }
0xc4: {  	[tilespmem:$0x5B10] =	vst v33  }
0xc5: {  	[tilespmem:$0x5B80] =	vst v32  }
0xc6: {  	[tilespmem:$0x5B90] =	vst v33  }
0xc7: {  	[tilespmem:$0x5C00] =	vst v32  }
0xc8: {  	[tilespmem:$0x5C10] =	vst v33  }
0xc9: {  	[tilespmem:$0x5C80] =	vst v32  }
0xca: {  	[tilespmem:$0x5C90] =	vst v33  }
0xcb: {  	[tilespmem:$0x5D00] =	vst v32  }
0xcc: {  	[tilespmem:$0x5D10] =	vst v33  }
0xcd: {  	[tilespmem:$0x5D80] =	vst v32  }
0xce: {  	[tilespmem:$0x5D90] =	vst v33  }
0xcf: {  	[tilespmem:$0x5E00] =	vst v32  }
0xd0: {  	[tilespmem:$0x5E10] =	vst v33  }
0xd1: {  	[tilespmem:$0x5E80] =	vst v32  }
0xd2: {  	[tilespmem:$0x5E90] =	vst v33  }
0xd3: {  	[tilespmem:$0x5F00] =	vst v32  }
0xd4: {  	[tilespmem:$0x5F10] =	vst v33  }
0xd5: {  	[tilespmem:$0x5F80] =	vst v32  }
0xd6: {  	[tilespmem:$0x5F90] =	vst v33  }
0xd7: {  	v32 =	vld.idx.msk [tilespmem:v2+s21+$0x0], $0xffff  }
0xd8: {  	v33 =	vld.idx.msk [tilespmem:v3+s21+$0x0], $0xffff;
	_ =	sdelay $0x3  }
0xd9: {  	[tilespmem:$0x6000] =	vst v32  }
0xda: {  	[tilespmem:$0x6010] =	vst v33  }
0xdb: {  	[tilespmem:$0x6080] =	vst v32  }
0xdc: {  	[tilespmem:$0x6090] =	vst v33  }
0xdd: {  	[tilespmem:$0x6100] =	vst v32  }
0xde: {  	[tilespmem:$0x6110] =	vst v33  }
0xdf: {  	[tilespmem:$0x6180] =	vst v32  }
0xe0: {  	[tilespmem:$0x6190] =	vst v33  }
0xe1: {  	[tilespmem:$0x6200] =	vst v32  }
0xe2: {  	[tilespmem:$0x6210] =	vst v33  }
0xe3: {  	[tilespmem:$0x6280] =	vst v32  }
0xe4: {  	[tilespmem:$0x6290] =	vst v33  }
0xe5: {  	[tilespmem:$0x6300] =	vst v32  }
0xe6: {  	[tilespmem:$0x6310] =	vst v33  }
0xe7: {  	[tilespmem:$0x6380] =	vst v32  }
0xe8: {  	[tilespmem:$0x6390] =	vst v33  }
0xe9: {  	[tilespmem:$0x6400] =	vst v32  }
0xea: {  	[tilespmem:$0x6410] =	vst v33  }
0xeb: {  	[tilespmem:$0x6480] =	vst v32  }
0xec: {  	[tilespmem:$0x6490] =	vst v33  }
0xed: {  	[tilespmem:$0x6500] =	vst v32  }
0xee: {  	[tilespmem:$0x6510] =	vst v33  }
0xef: {  	[tilespmem:$0x6580] =	vst v32  }
0xf0: {  	[tilespmem:$0x6590] =	vst v33  }
0xf1: {  	[tilespmem:$0x6600] =	vst v32  }
0xf2: {  	[tilespmem:$0x6610] =	vst v33  }
0xf3: {  	[tilespmem:$0x6680] =	vst v32  }
0xf4: {  	[tilespmem:$0x6690] =	vst v33  }
0xf5: {  	[tilespmem:$0x6700] =	vst v32  }
0xf6: {  	[tilespmem:$0x6710] =	vst v33  }
0xf7: {  	[tilespmem:$0x6780] =	vst v32  }
0xf8: {  	[tilespmem:$0x6790] =	vst v33  }
0xf9: {  	[tilespmem:$0x6800] =	vst v32  }
0xfa: {  	[tilespmem:$0x6810] =	vst v33  }
0xfb: {  	[tilespmem:$0x6880] =	vst v32  }
0xfc: {  	[tilespmem:$0x6890] =	vst v33  }
0xfd: {  	[tilespmem:$0x6900] =	vst v32  }
0xfe: {  	[tilespmem:$0x6910] =	vst v33  }
0xff: {  	[tilespmem:$0x6980] =	vst v32  }
0x100: {  	[tilespmem:$0x6990] =	vst v33  }
0x101: {  	[tilespmem:$0x6A00] =	vst v32  }
0x102: {  	[tilespmem:$0x6A10] =	vst v33  }
0x103: {  	[tilespmem:$0x6A80] =	vst v32  }
0x104: {  	[tilespmem:$0x6A90] =	vst v33  }
0x105: {  	[tilespmem:$0x6B00] =	vst v32  }
0x106: {  	[tilespmem:$0x6B10] =	vst v33  }
0x107: {  	[tilespmem:$0x6B80] =	vst v32  }
0x108: {  	[tilespmem:$0x6B90] =	vst v33  }
0x109: {  	[tilespmem:$0x6C00] =	vst v32  }
0x10a: {  	[tilespmem:$0x6C10] =	vst v33  }
0x10b: {  	[tilespmem:$0x6C80] =	vst v32  }
0x10c: {  	[tilespmem:$0x6C90] =	vst v33  }
0x10d: {  	[tilespmem:$0x6D00] =	vst v32  }
0x10e: {  	[tilespmem:$0x6D10] =	vst v33  }
0x10f: {  	[tilespmem:$0x6D80] =	vst v32  }
0x110: {  	[tilespmem:$0x6D90] =	vst v33  }
0x111: {  	[tilespmem:$0x6E00] =	vst v32  }
0x112: {  	[tilespmem:$0x6E10] =	vst v33  }
0x113: {  	[tilespmem:$0x6E80] =	vst v32  }
0x114: {  	[tilespmem:$0x6E90] =	vst v33  }
0x115: {  	[tilespmem:$0x6F00] =	vst v32  }
0x116: {  	[tilespmem:$0x6F10] =	vst v33  }
0x117: {  	[tilespmem:$0x6F80] =	vst v32  }
0x118: {  	[tilespmem:$0x6F90] =	vst v33  }
0x119: {  	v32 =	vld.idx.msk [tilespmem:v4+s21+$0x0], $0xffff  }
0x11a: {  	v33 =	vld.idx.msk [tilespmem:v5+s21+$0x0], $0xffff;
	_ =	sdelay $0x3  }
0x11b: {  	[tilespmem:$0x7000] =	vst v32  }
0x11c: {  	[tilespmem:$0x7010] =	vst v33  }
0x11d: {  	[tilespmem:$0x7080] =	vst v32  }
0x11e: {  	[tilespmem:$0x7090] =	vst v33  }
0x11f: {  	[tilespmem:$0x7100] =	vst v32  }
0x120: {  	[tilespmem:$0x7110] =	vst v33  }
0x121: {  	[tilespmem:$0x7180] =	vst v32  }
0x122: {  	[tilespmem:$0x7190] =	vst v33  }
0x123: {  	[tilespmem:$0x7200] =	vst v32  }
0x124: {  	[tilespmem:$0x7210] =	vst v33  }
0x125: {  	[tilespmem:$0x7280] =	vst v32  }
0x126: {  	[tilespmem:$0x7290] =	vst v33  }
0x127: {  	[tilespmem:$0x7300] =	vst v32  }
0x128: {  	[tilespmem:$0x7310] =	vst v33  }
0x129: {  	[tilespmem:$0x7380] =	vst v32  }
0x12a: {  	[tilespmem:$0x7390] =	vst v33  }
0x12b: {  	[tilespmem:$0x7400] =	vst v32  }
0x12c: {  	[tilespmem:$0x7410] =	vst v33  }
0x12d: {  	[tilespmem:$0x7480] =	vst v32  }
0x12e: {  	[tilespmem:$0x7490] =	vst v33  }
0x12f: {  	[tilespmem:$0x7500] =	vst v32  }
0x130: {  	[tilespmem:$0x7510] =	vst v33  }
0x131: {  	[tilespmem:$0x7580] =	vst v32  }
0x132: {  	[tilespmem:$0x7590] =	vst v33  }
0x133: {  	[tilespmem:$0x7600] =	vst v32  }
0x134: {  	[tilespmem:$0x7610] =	vst v33  }
0x135: {  	[tilespmem:$0x7680] =	vst v32  }
0x136: {  	[tilespmem:$0x7690] =	vst v33  }
0x137: {  	[tilespmem:$0x7700] =	vst v32  }
0x138: {  	[tilespmem:$0x7710] =	vst v33  }
0x139: {  	[tilespmem:$0x7780] =	vst v32  }
0x13a: {  	[tilespmem:$0x7790] =	vst v33  }
0x13b: {  	[tilespmem:$0x7800] =	vst v32  }
0x13c: {  	[tilespmem:$0x7810] =	vst v33  }
0x13d: {  	[tilespmem:$0x7880] =	vst v32  }
0x13e: {  	[tilespmem:$0x7890] =	vst v33  }
0x13f: {  	[tilespmem:$0x7900] =	vst v32  }
0x140: {  	[tilespmem:$0x7910] =	vst v33  }
0x141: {  	[tilespmem:$0x7980] =	vst v32  }
0x142: {  	[tilespmem:$0x7990] =	vst v33  }
0x143: {  	[tilespmem:$0x7A00] =	vst v32  }
0x144: {  	[tilespmem:$0x7A10] =	vst v33  }
0x145: {  	[tilespmem:$0x7A80] =	vst v32  }
0x146: {  	[tilespmem:$0x7A90] =	vst v33  }
0x147: {  	[tilespmem:$0x7B00] =	vst v32  }
0x148: {  	[tilespmem:$0x7B10] =	vst v33  }
0x149: {  	[tilespmem:$0x7B80] =	vst v32  }
0x14a: {  	[tilespmem:$0x7B90] =	vst v33  }
0x14b: {  	[tilespmem:$0x7C00] =	vst v32  }
0x14c: {  	[tilespmem:$0x7C10] =	vst v33  }
0x14d: {  	[tilespmem:$0x7C80] =	vst v32  }
0x14e: {  	[tilespmem:$0x7C90] =	vst v33  }
0x14f: {  	[tilespmem:$0x7D00] =	vst v32  }
0x150: {  	[tilespmem:$0x7D10] =	vst v33  }
0x151: {  	[tilespmem:$0x7D80] =	vst v32  }
0x152: {  	[tilespmem:$0x7D90] =	vst v33  }
0x153: {  	[tilespmem:$0x7E00] =	vst v32  }
0x154: {  	[tilespmem:$0x7E10] =	vst v33  }
0x155: {  	[tilespmem:$0x7E80] =	vst v32  }
0x156: {  	[tilespmem:$0x7E90] =	vst v33  }
0x157: {  	[tilespmem:$0x7F00] =	vst v32  }
0x158: {  	[tilespmem:$0x7F10] =	vst v33  }
0x159: {  	[tilespmem:$0x7F80] =	vst v32  }
0x15a: {  	[tilespmem:$0x7F90] =	vst v33  }
0x15b: {  	v32 =	vld.idx.msk [tilespmem:v6+s21+$0x0], $0xffff  }
0x15c: {  	v33 =	vld.idx.msk [tilespmem:v7+s21+$0x0], $0xffff;
	_ =	sdelay $0x2  }
0x15d: {  	s22 =	simm.s32 $0x0;
	s21 =	simm.s32 $0x200  }
.LBB2_3:
0x15e: {  	p1 =	sne.s32 s21, $0x3E00;
	[tilespmem:s22+$0x8000] =	vst v32;
	s23 =	smov.u32 s21;
	s21 =	sadd.s32 $0x200, s21  }
.Ltmp3:
0x15f: {  	[tilespmem:s22+$0x8010] =	vst v33;
	(pc) =	sbr.rel @p1 .LBB2_3-.Ltmp3, $2  }
0x160: {  	_ =	sdelay $0x2  }
0x161: {  	s22 =	sshra.s32 s23, $0x2  }
0x162: {  	_ =	sdelay $0x1  }
0x163: {  	[tilespmem:s22+$0x8000] =	vst v32  }
0x164: {  	[tilespmem:s22+$0x8010] =	vst v33;
	s21 =	simm.s32 $0x0  }
0x165: {  	v32 =	vld.idx.msk [tilespmem:v8+s21+$0x0], $0xffff  }
0x166: {  	v33 =	vld.idx.msk [tilespmem:v9+s21+$0x0], $0xffff;
	_ =	sdelay $0x2  }
0x167: {  	s22 =	simm.s32 $0x0;
	s21 =	simm.s32 $0x200  }
.LBB2_5:
0x168: {  	p1 =	sne.s32 s21, $0x3E00;
	[tilespmem:s22+$0x9000] =	vst v32;
	s23 =	smov.u32 s21;
	s21 =	sadd.s32 $0x200, s21  }
.Ltmp4:
0x169: {  	[tilespmem:s22+$0x9010] =	vst v33;
	(pc) =	sbr.rel @p1 .LBB2_5-.Ltmp4, $2  }
0x16a: {  	_ =	sdelay $0x2  }
0x16b: {  	s22 =	sshra.s32 s23, $0x2  }
0x16c: {  	_ =	sdelay $0x1  }
0x16d: {  	[tilespmem:s22+$0x9000] =	vst v32  }
0x16e: {  	[tilespmem:s22+$0x9010] =	vst v33;
	s21 =	simm.s32 $0x0  }
0x16f: {  	v32 =	vld.idx.msk [tilespmem:v10+s21+$0x0], $0xffff  }
0x170: {  	v33 =	vld.idx.msk [tilespmem:v11+s21+$0x0], $0xffff;
	_ =	sdelay $0x2  }
0x171: {  	s22 =	simm.s32 $0x0;
	s21 =	simm.s32 $0x200  }
.LBB2_7:
0x172: {  	p1 =	sne.s32 s21, $0x3E00;
	[tilespmem:s22+$0xA000] =	vst v32;
	s23 =	smov.u32 s21;
	s21 =	sadd.s32 $0x200, s21  }
.Ltmp5:
0x173: {  	[tilespmem:s22+$0xA010] =	vst v33;
	(pc) =	sbr.rel @p1 .LBB2_7-.Ltmp5, $2  }
0x174: {  	_ =	sdelay $0x2  }
0x175: {  	s22 =	sshra.s32 s23, $0x2  }
0x176: {  	_ =	sdelay $0x1  }
0x177: {  	[tilespmem:s22+$0xA000] =	vst v32  }
0x178: {  	[tilespmem:s22+$0xA010] =	vst v33;
	s21 =	simm.s32 $0x0  }
0x179: {  	v32 =	vld.idx.msk [tilespmem:v12+s21+$0x0], $0xffff  }
0x17a: {  	v33 =	vld.idx.msk [tilespmem:v13+s21+$0x0], $0xffff;
	_ =	sdelay $0x2  }
0x17b: {  	s22 =	simm.s32 $0x0;
	s21 =	simm.s32 $0x200  }
.LBB2_9:
0x17c: {  	p1 =	sne.s32 s21, $0x3E00;
	[tilespmem:s22+$0xB000] =	vst v32;
	s23 =	smov.u32 s21;
	s21 =	sadd.s32 $0x200, s21  }
.Ltmp6:
0x17d: {  	[tilespmem:s22+$0xB010] =	vst v33;
	(pc) =	sbr.rel @p1 .LBB2_9-.Ltmp6, $2  }
0x17e: {  	_ =	sdelay $0x2  }
0x17f: {  	s22 =	sshra.s32 s23, $0x2  }
0x180: {  	_ =	sdelay $0x1  }
0x181: {  	[tilespmem:s22+$0xB000] =	vst v32  }
0x182: {  	[tilespmem:s22+$0xB010] =	vst v33;
	s21 =	simm.s32 $0x0  }
0x183: {  	v32 =	vld.idx.msk [tilespmem:v16+s21+$0x0], $0xffff  }
0x184: {  	v33 =	vld.idx.msk [tilespmem:v17+s21+$0x0], $0xffff;
	_ =	sdelay $0x2  }
0x185: {  	s22 =	simm.s32 $0x0;
	s21 =	simm.s32 $0x200  }
.LBB2_11:
0x186: {  	p1 =	sne.s32 s21, $0x3E00;
	[tilespmem:s22+$0xC000] =	vst v32;
	s23 =	smov.u32 s21;
	s21 =	sadd.s32 $0x200, s21  }
.Ltmp7:
0x187: {  	[tilespmem:s22+$0xC010] =	vst v33;
	(pc) =	sbr.rel @p1 .LBB2_11-.Ltmp7, $2  }
0x188: {  	_ =	sdelay $0x2  }
0x189: {  	s22 =	sshra.s32 s23, $0x2  }
0x18a: {  	_ =	sdelay $0x1  }
0x18b: {  	[tilespmem:s22+$0xC000] =	vst v32  }
0x18c: {  	[tilespmem:s22+$0xC010] =	vst v33;
	s21 =	simm.s32 $0x0  }
0x18d: {  	v32 =	vld.idx.msk [tilespmem:v18+s21+$0x0], $0xffff  }
0x18e: {  	v33 =	vld.idx.msk [tilespmem:v19+s21+$0x0], $0xffff;
	_ =	sdelay $0x2  }
0x18f: {  	s22 =	simm.s32 $0x0;
	s21 =	simm.s32 $0x200  }
.LBB2_13:
0x190: {  	p1 =	sne.s32 s21, $0x3E00;
	[tilespmem:s22+$0xD000] =	vst v32;
	s23 =	smov.u32 s21;
	s21 =	sadd.s32 $0x200, s21  }
.Ltmp8:
0x191: {  	[tilespmem:s22+$0xD010] =	vst v33;
	(pc) =	sbr.rel @p1 .LBB2_13-.Ltmp8, $2  }
0x192: {  	_ =	sdelay $0x2  }
0x193: {  	s22 =	sshra.s32 s23, $0x2  }
0x194: {  	_ =	sdelay $0x1  }
0x195: {  	[tilespmem:s22+$0xD000] =	vst v32  }
0x196: {  	[tilespmem:s22+$0xD010] =	vst v33;
	s21 =	simm.s32 $0x0  }
0x197: {  	v32 =	vld.idx.msk [tilespmem:v20+s21+$0x0], $0xffff  }
0x198: {  	v33 =	vld.idx.msk [tilespmem:v21+s21+$0x0], $0xffff;
	_ =	sdelay $0x2  }
0x199: {  	s22 =	simm.s32 $0x0;
	s21 =	simm.s32 $0x200  }
.LBB2_15:
0x19a: {  	p1 =	sne.s32 s21, $0x3E00;
	[tilespmem:s22+$0xE000] =	vst v32;
	s23 =	smov.u32 s21;
	s21 =	sadd.s32 $0x200, s21  }
.Ltmp9:
0x19b: {  	[tilespmem:s22+$0xE010] =	vst v33;
	(pc) =	sbr.rel @p1 .LBB2_15-.Ltmp9, $2  }
0x19c: {  	_ =	sdelay $0x2  }
0x19d: {  	s22 =	sshra.s32 s23, $0x2  }
0x19e: {  	_ =	sdelay $0x1  }
0x19f: {  	[tilespmem:s22+$0xE000] =	vst v32  }
0x1a0: {  	[tilespmem:s22+$0xE010] =	vst v33;
	s21 =	simm.s32 $0x0  }
0x1a1: {  	v32 =	vld.idx.msk [tilespmem:v22+s21+$0x0], $0xffff  }
0x1a2: {  	v33 =	vld.idx.msk [tilespmem:v23+s21+$0x0], $0xffff;
	_ =	sdelay $0x2  }
0x1a3: {  	s22 =	simm.s32 $0x0;
	s21 =	simm.s32 $0x200  }
.LBB2_17:
0x1a4: {  	p1 =	sne.s32 s21, $0x3E00;
	[tilespmem:s22+$0xF000] =	vst v32;
	s23 =	smov.u32 s21;
	s21 =	sadd.s32 $0x200, s21  }
.Ltmp10:
0x1a5: {  	[tilespmem:s22+$0xF010] =	vst v33;
	(pc) =	sbr.rel @p1 .LBB2_17-.Ltmp10, $2  }
0x1a6: {  	_ =	sdelay $0x2  }
0x1a7: {  	s22 =	sshra.s32 s23, $0x2  }
0x1a8: {  	_ =	sdelay $0x1  }
0x1a9: {  	[tilespmem:s22+$0xF000] =	vst v32  }
0x1aa: {  	[tilespmem:s22+$0xF010] =	vst v33;
	s21 =	simm.s32 $0x0  }
0x1ab: {  	v32 =	vld.idx.msk [tilespmem:v24+s21+$0x0], $0xffff  }
0x1ac: {  	v33 =	vld.idx.msk [tilespmem:v25+s21+$0x0], $0xffff;
	_ =	sdelay $0x2  }
0x1ad: {  	s22 =	simm.s32 $0x0;
	s21 =	simm.s32 $0x200  }
.LBB2_19:
0x1ae: {  	p1 =	sne.s32 s21, $0x3E00;
	[tilespmem:s22+$0x10000] =	vst v32;
	s23 =	smov.u32 s21;
	s21 =	sadd.s32 $0x200, s21  }
.Ltmp11:
0x1af: {  	[tilespmem:s22+$0x10010] =	vst v33;
	(pc) =	sbr.rel @p1 .LBB2_19-.Ltmp11, $2  }
0x1b0: {  	_ =	sdelay $0x2  }
0x1b1: {  	s22 =	sshra.s32 s23, $0x2  }
0x1b2: {  	_ =	sdelay $0x1  }
0x1b3: {  	[tilespmem:s22+$0x10000] =	vst v32  }
0x1b4: {  	[tilespmem:s22+$0x10010] =	vst v33;
	s21 =	simm.s32 $0x0  }
0x1b5: {  	v32 =	vld.idx.msk [tilespmem:v26+s21+$0x0], $0xffff  }
0x1b6: {  	v33 =	vld.idx.msk [tilespmem:v27+s21+$0x0], $0xffff;
	_ =	sdelay $0x2  }
0x1b7: {  	s22 =	simm.s32 $0x0;
	s21 =	simm.s32 $0x200  }
.LBB2_21:
0x1b8: {  	p1 =	sne.s32 s21, $0x3E00;
	[tilespmem:s22+$0x11000] =	vst v32;
	s23 =	smov.u32 s21;
	s21 =	sadd.s32 $0x200, s21  }
.Ltmp12:
0x1b9: {  	[tilespmem:s22+$0x11010] =	vst v33;
	(pc) =	sbr.rel @p1 .LBB2_21-.Ltmp12, $2  }
0x1ba: {  	_ =	sdelay $0x2  }
0x1bb: {  	s22 =	sshra.s32 s23, $0x2  }
0x1bc: {  	_ =	sdelay $0x1  }
0x1bd: {  	[tilespmem:s22+$0x11000] =	vst v32  }
0x1be: {  	[tilespmem:s22+$0x11010] =	vst v33;
	s21 =	simm.s32 $0x0  }
0x1bf: {  	v32 =	vld.idx.msk [tilespmem:v28+s21+$0x0], $0xffff  }
0x1c0: {  	v33 =	vld.idx.msk [tilespmem:v29+s21+$0x0], $0xffff;
	_ =	sdelay $0x2  }
0x1c1: {  	s22 =	simm.s32 $0x0;
	s21 =	simm.s32 $0x200  }
.LBB2_23:
0x1c2: {  	p1 =	sne.s32 s21, $0x3E00;
	[tilespmem:s22+$0x12000] =	vst v32;
	s23 =	smov.u32 s21;
	s21 =	sadd.s32 $0x200, s21  }
.Ltmp13:
0x1c3: {  	[tilespmem:s22+$0x12010] =	vst v33;
	(pc) =	sbr.rel @p1 .LBB2_23-.Ltmp13, $2  }
0x1c4: {  	_ =	sdelay $0x2  }
0x1c5: {  	s22 =	sshra.s32 s23, $0x2  }
0x1c6: {  	_ =	sdelay $0x1  }
0x1c7: {  	[tilespmem:s22+$0x12000] =	vst v32  }
0x1c8: {  	[tilespmem:s22+$0x12010] =	vst v33;
	s21 =	simm.s32 $0x0  }
0x1c9: {  	v32 =	vld.idx.msk [tilespmem:v30+s21+$0x0], $0xffff  }
0x1ca: {  	v33 =	vld.idx.msk [tilespmem:v31+s21+$0x0], $0xffff;
	_ =	sdelay $0x2  }
0x1cb: {  	s22 =	simm.s32 $0x0;
	s21 =	simm.s32 $0x200  }
.LBB2_25:
0x1cc: {  	p1 =	seq.s32 s21, $0x3E00;
	[tilespmem:s22+$0x13000] =	vst v32;
	s23 =	smov.u32 s21;
	s21 =	sadd.s32 $0x200, s21  }
.Ltmp14:
0x1cd: {  	[tilespmem:s22+$0x13010] =	vst v33;
	(pc) =	sbr.rel @!p1 .LBB2_25-.Ltmp14, $2  }
0x1ce: {  	_ =	sdelay $0x2  }
0x1cf: {  	s22 =	sshra.s32 s23, $0x2  }
.Ltmp15:
0x1d0: {  	(pc) =	sbr.rel .LBB2_60-.Ltmp15, $3  }
0x1d1: {  	_ =	sdelay $0x1  }
0x1d2: {  	[tilespmem:s22+$0x13000] =	vst v32  }
0x1d3: {  	[tilespmem:s22+$0x13010] =	vst v33  }
.LBB2_27:
0x1d4: {  	s22 =	sadd.s32 s5, s3  }
0x1d5: {  	v32 =	vmov s22  }
0x1d6: {  	v32 =	vand.u32 $0xFFFFFFF0, v32  }
0x1d7: {  	v32 =	vbroadcast v32, $0x0;
	_ =	sdelay $0x2  }
0x1d8: {  	s22 =	sadd.s32 $0x100, s3  }
0x1d9: {  	s23 =	sadd.s32 s5, s22  }
0x1da: {  	v63 =	vmov s23  }
0x1db: {  	v33 =	vld.idx.msk [tilespmem:v32+s0+$0x0], $0xffff;
	v32 =	vand.u32 $0xFFFFFFF0, v63  }
0x1dc: {  	v32 =	vbroadcast v32, $0x0;
	_ =	sdelay $0x3  }
0x1dd: {  	s22 =	sadd.s32 $0x100, s22;
	[tilespmem:s21+$0xFFFFFFF0] =	vst v33  }
0x1de: {  	s23 =	sadd.s32 s5, s22;
	s22 =	sadd.s32 $0x100, s22;
	[tilespmem:s21+$0x0] =	vst v33  }
.LBB2_28:
0x1df: {  	p1 =	sne.s32 s22, $0x1F00;
	v33 =	vmov s23;
	v34 =	vld.idx.msk [tilespmem:v32+s0+$0x0], $0xffff  }
0x1e0: {  	v32 =	vand.u32 $0xFFFFFFF0, v33  }
0x1e1: {  	v32 =	vbroadcast v32, $0x0  }
.Ltmp16:
0x1e2: {  	(pc) =	sbr.rel @p1 .LBB2_28-.Ltmp16, $4  }
0x1e3: {  	_ = 	snop  }
0x1e4: {  	s21 =	sadd.s32 $0x80, s21  }
0x1e5: {  	[tilespmem:s21+$0xFFFFFFF0] =	vst v34  }
0x1e6: {  	s23 =	sadd.s32 s5, s22;
	s22 =	sadd.s32 $0x100, s22;
	[tilespmem:s21+$0x0] =	vst v34  }
0x1e7: {  	_ =	sdelay $0x2  }
0x1e8: {  	v33 =	vmov s23  }
0x1e9: {  	v32 =	vld.idx.msk [tilespmem:v32+s0+$0x0], $0xffff;
	v33 =	vand.u32 $0xFFFFFFF0, v33  }
0x1ea: {  	v33 =	vbroadcast v33, $0x0;
	_ =	sdelay $0x2  }
0x1eb: {  	s21 =	sadd.s32 $0x80, s21  }
0x1ec: {  	s22 =	sadd.s32 $0x0, s6;
	[tilespmem:s21+$0xFFFFFFF0] =	vst v32  }
0x1ed: {  	v62 =	vmov s22;
	[tilespmem:s21+$0x0] =	vst v32  }
0x1ee: {  	v32 =	vand.u32 $0xFFFFFFF1, v62;
	v33 =	vld.idx.msk [tilespmem:v33+s0+$0x0], $0xffff  }
0x1ef: {  	v32 =	vbroadcast v32, $0x0;
	_ =	sdelay $0x2  }
0x1f0: {  	s21 =	sadd.s32 $0x80, s21  }
0x1f1: {  	s23 =	sadd.s32 $0x100, s6;
	[tilespmem:s21+$0xFFFFFFF0] =	vst v33  }
0x1f2: {  	v63 =	vmov s23;
	[tilespmem:s21+$0x0] =	vst v33  }
0x1f3: {  	v33 =	vld.idx.msk [tilespmem:v32+s0+$0x0], $0xffff;
	v32 =	vand.u32 $0xFFFFFFF1, v63  }
0x1f4: {  	v32 =	vbroadcast v32, $0x0;
	_ =	sdelay $0x2  }
0x1f5: {  	s21 =	simm.s32 $0x5010  }
0x1f6: {  	[tilespmem:s21+$0xFFFFFFF0] =	vst v33  }
0x1f7: {  	s23 =	sadd.s32 $0x200, s6;
	s22 =	simm.s32 $0x300;
	[tilespmem:s21+$0x0] =	vst v33  }
.LBB2_30:
0x1f8: {  	p1 =	sne.s32 s22, $0x1F00;
	v33 =	vmov s23;
	v34 =	vld.idx.msk [tilespmem:v32+s0+$0x0], $0xffff  }
0x1f9: {  	v32 =	vand.u32 $0xFFFFFFF1, v33  }
0x1fa: {  	v32 =	vbroadcast v32, $0x0  }
.Ltmp17:
0x1fb: {  	(pc) =	sbr.rel @p1 .LBB2_30-.Ltmp17, $4  }
0x1fc: {  	_ = 	snop  }
0x1fd: {  	s21 =	sadd.s32 $0x80, s21  }
0x1fe: {  	[tilespmem:s21+$0xFFFFFFF0] =	vst v34  }
0x1ff: {  	s23 =	sadd.s32 s6, s22;
	s22 =	sadd.s32 $0x100, s22;
	[tilespmem:s21+$0x0] =	vst v34  }
0x200: {  	_ =	sdelay $0x2  }
0x201: {  	v33 =	vmov s23  }
0x202: {  	v32 =	vld.idx.msk [tilespmem:v32+s0+$0x0], $0xffff;
	v33 =	vand.u32 $0xFFFFFFF1, v33  }
0x203: {  	v33 =	vbroadcast v33, $0x0;
	_ =	sdelay $0x2  }
0x204: {  	s21 =	sadd.s32 $0x80, s21  }
0x205: {  	s22 =	sadd.s32 $0x0, s7;
	[tilespmem:s21+$0xFFFFFFF0] =	vst v32  }
0x206: {  	v62 =	vmov s22;
	[tilespmem:s21+$0x0] =	vst v32  }
0x207: {  	v32 =	vand.u32 $0xFFFFFFF2, v62;
	v33 =	vld.idx.msk [tilespmem:v33+s0+$0x0], $0xffff  }
0x208: {  	v32 =	vbroadcast v32, $0x0;
	_ =	sdelay $0x2  }
0x209: {  	s21 =	sadd.s32 $0x80, s21  }
0x20a: {  	s23 =	sadd.s32 $0x100, s7;
	[tilespmem:s21+$0xFFFFFFF0] =	vst v33  }
0x20b: {  	v63 =	vmov s23;
	[tilespmem:s21+$0x0] =	vst v33  }
0x20c: {  	v33 =	vld.idx.msk [tilespmem:v32+s0+$0x0], $0xffff;
	v32 =	vand.u32 $0xFFFFFFF2, v63  }
0x20d: {  	v32 =	vbroadcast v32, $0x0;
	_ =	sdelay $0x2  }
0x20e: {  	s21 =	simm.s32 $0x6010  }
0x20f: {  	[tilespmem:s21+$0xFFFFFFF0] =	vst v33  }
0x210: {  	s23 =	sadd.s32 $0x200, s7;
	s22 =	simm.s32 $0x300;
	[tilespmem:s21+$0x0] =	vst v33  }
.LBB2_32:
0x211: {  	p1 =	sne.s32 s22, $0x1F00;
	v33 =	vmov s23;
	v34 =	vld.idx.msk [tilespmem:v32+s0+$0x0], $0xffff  }
0x212: {  	v32 =	vand.u32 $0xFFFFFFF2, v33  }
0x213: {  	v32 =	vbroadcast v32, $0x0  }
.Ltmp18:
0x214: {  	(pc) =	sbr.rel @p1 .LBB2_32-.Ltmp18, $4  }
0x215: {  	_ = 	snop  }
0x216: {  	s21 =	sadd.s32 $0x80, s21  }
0x217: {  	[tilespmem:s21+$0xFFFFFFF0] =	vst v34  }
0x218: {  	s23 =	sadd.s32 s7, s22;
	s22 =	sadd.s32 $0x100, s22;
	[tilespmem:s21+$0x0] =	vst v34  }
0x219: {  	_ =	sdelay $0x2  }
0x21a: {  	v33 =	vmov s23  }
0x21b: {  	v32 =	vld.idx.msk [tilespmem:v32+s0+$0x0], $0xffff;
	v33 =	vand.u32 $0xFFFFFFF2, v33  }
0x21c: {  	v33 =	vbroadcast v33, $0x0;
	_ =	sdelay $0x2  }
0x21d: {  	s21 =	sadd.s32 $0x80, s21  }
0x21e: {  	s22 =	sadd.s32 $0x0, s8;
	[tilespmem:s21+$0xFFFFFFF0] =	vst v32  }
0x21f: {  	v62 =	vmov s22;
	[tilespmem:s21+$0x0] =	vst v32  }
0x220: {  	v32 =	vand.u32 $0xFFFFFFF3, v62;
	v33 =	vld.idx.msk [tilespmem:v33+s0+$0x0], $0xffff  }
0x221: {  	v32 =	vbroadcast v32, $0x0;
	_ =	sdelay $0x2  }
0x222: {  	s21 =	sadd.s32 $0x80, s21  }
0x223: {  	s23 =	sadd.s32 $0x100, s8;
	[tilespmem:s21+$0xFFFFFFF0] =	vst v33  }
0x224: {  	v63 =	vmov s23;
	[tilespmem:s21+$0x0] =	vst v33  }
0x225: {  	v33 =	vld.idx.msk [tilespmem:v32+s0+$0x0], $0xffff;
	v32 =	vand.u32 $0xFFFFFFF3, v63  }
0x226: {  	v32 =	vbroadcast v32, $0x0;
	_ =	sdelay $0x2  }
0x227: {  	s21 =	simm.s32 $0x7010  }
0x228: {  	[tilespmem:s21+$0xFFFFFFF0] =	vst v33  }
0x229: {  	s23 =	sadd.s32 $0x200, s8;
	s22 =	simm.s32 $0x300;
	[tilespmem:s21+$0x0] =	vst v33  }
.LBB2_34:
0x22a: {  	p1 =	sne.s32 s22, $0x1F00;
	v33 =	vmov s23;
	v34 =	vld.idx.msk [tilespmem:v32+s0+$0x0], $0xffff  }
0x22b: {  	v32 =	vand.u32 $0xFFFFFFF3, v33  }
0x22c: {  	v32 =	vbroadcast v32, $0x0  }
.Ltmp19:
0x22d: {  	(pc) =	sbr.rel @p1 .LBB2_34-.Ltmp19, $4  }
0x22e: {  	_ = 	snop  }
0x22f: {  	s21 =	sadd.s32 $0x80, s21  }
0x230: {  	[tilespmem:s21+$0xFFFFFFF0] =	vst v34  }
0x231: {  	s23 =	sadd.s32 s8, s22;
	s22 =	sadd.s32 $0x100, s22;
	[tilespmem:s21+$0x0] =	vst v34  }
0x232: {  	_ =	sdelay $0x2  }
0x233: {  	v33 =	vmov s23  }
0x234: {  	v32 =	vld.idx.msk [tilespmem:v32+s0+$0x0], $0xffff;
	v33 =	vand.u32 $0xFFFFFFF3, v33  }
0x235: {  	v33 =	vbroadcast v33, $0x0;
	_ =	sdelay $0x2  }
0x236: {  	s21 =	sadd.s32 $0x80, s21  }
0x237: {  	s22 =	sadd.s32 $0x0, s9;
	[tilespmem:s21+$0xFFFFFFF0] =	vst v32  }
0x238: {  	v62 =	vmov s22;
	[tilespmem:s21+$0x0] =	vst v32  }
0x239: {  	v32 =	vand.u32 $0xFFFFFFF4, v62;
	v33 =	vld.idx.msk [tilespmem:v33+s0+$0x0], $0xffff  }
0x23a: {  	v32 =	vbroadcast v32, $0x0;
	_ =	sdelay $0x2  }
0x23b: {  	s21 =	sadd.s32 $0x80, s21  }
0x23c: {  	s23 =	sadd.s32 $0x100, s9;
	[tilespmem:s21+$0xFFFFFFF0] =	vst v33  }
0x23d: {  	v63 =	vmov s23;
	[tilespmem:s21+$0x0] =	vst v33  }
0x23e: {  	v33 =	vld.idx.msk [tilespmem:v32+s0+$0x0], $0xffff;
	v32 =	vand.u32 $0xFFFFFFF4, v63  }
0x23f: {  	v32 =	vbroadcast v32, $0x0;
	_ =	sdelay $0x2  }
0x240: {  	s21 =	simm.s32 $0x8000  }
0x241: {  	[tilespmem:s21+$0x0] =	vst v33  }
0x242: {  	s23 =	sadd.s32 $0x200, s9;
	s22 =	simm.s32 $0x300;
	[tilespmem:s21+$0x10] =	vst v33  }
.LBB2_36:
0x243: {  	p1 =	sne.s32 s22, $0x1F00;
	v33 =	vmov s23;
	v34 =	vld.idx.msk [tilespmem:v32+s0+$0x0], $0xffff  }
0x244: {  	v32 =	vand.u32 $0xFFFFFFF4, v33  }
0x245: {  	v32 =	vbroadcast v32, $0x0  }
.Ltmp20:
0x246: {  	(pc) =	sbr.rel @p1 .LBB2_36-.Ltmp20, $4  }
0x247: {  	_ = 	snop  }
0x248: {  	s21 =	sadd.s32 $0x80, s21  }
0x249: {  	[tilespmem:s21+$0x0] =	vst v34  }
0x24a: {  	s23 =	sadd.s32 s9, s22;
	s22 =	sadd.s32 $0x100, s22;
	[tilespmem:s21+$0x10] =	vst v34  }
0x24b: {  	_ =	sdelay $0x2  }
0x24c: {  	v33 =	vmov s23  }
0x24d: {  	v32 =	vld.idx.msk [tilespmem:v32+s0+$0x0], $0xffff;
	v33 =	vand.u32 $0xFFFFFFF4, v33  }
0x24e: {  	v33 =	vbroadcast v33, $0x0;
	_ =	sdelay $0x2  }
0x24f: {  	s21 =	sadd.s32 $0x80, s21  }
0x250: {  	s22 =	sadd.s32 $0x0, s10;
	[tilespmem:s21+$0x0] =	vst v32  }
0x251: {  	v62 =	vmov s22;
	[tilespmem:s21+$0x10] =	vst v32  }
0x252: {  	v32 =	vand.u32 $0xFFFFFFF5, v62;
	v33 =	vld.idx.msk [tilespmem:v33+s0+$0x0], $0xffff  }
0x253: {  	v32 =	vbroadcast v32, $0x0;
	_ =	sdelay $0x2  }
0x254: {  	s21 =	sadd.s32 $0x80, s21  }
0x255: {  	s23 =	sadd.s32 $0x100, s10;
	[tilespmem:s21+$0x0] =	vst v33  }
0x256: {  	v63 =	vmov s23;
	[tilespmem:s21+$0x10] =	vst v33  }
0x257: {  	v33 =	vld.idx.msk [tilespmem:v32+s0+$0x0], $0xffff;
	v32 =	vand.u32 $0xFFFFFFF5, v63  }
0x258: {  	v32 =	vbroadcast v32, $0x0;
	_ =	sdelay $0x2  }
0x259: {  	s21 =	simm.s32 $0x9000  }
0x25a: {  	[tilespmem:s21+$0x0] =	vst v33  }
0x25b: {  	s23 =	sadd.s32 $0x200, s10;
	s22 =	simm.s32 $0x300;
	[tilespmem:s21+$0x10] =	vst v33  }
.LBB2_38:
0x25c: {  	p1 =	sne.s32 s22, $0x1F00;
	v33 =	vmov s23;
	v34 =	vld.idx.msk [tilespmem:v32+s0+$0x0], $0xffff  }
0x25d: {  	v32 =	vand.u32 $0xFFFFFFF5, v33  }
0x25e: {  	v32 =	vbroadcast v32, $0x0  }
.Ltmp21:
0x25f: {  	(pc) =	sbr.rel @p1 .LBB2_38-.Ltmp21, $4  }
0x260: {  	_ = 	snop  }
0x261: {  	s21 =	sadd.s32 $0x80, s21  }
0x262: {  	[tilespmem:s21+$0x0] =	vst v34  }
0x263: {  	s23 =	sadd.s32 s10, s22;
	s22 =	sadd.s32 $0x100, s22;
	[tilespmem:s21+$0x10] =	vst v34  }
0x264: {  	_ =	sdelay $0x2  }
0x265: {  	v33 =	vmov s23  }
0x266: {  	v32 =	vld.idx.msk [tilespmem:v32+s0+$0x0], $0xffff;
	v33 =	vand.u32 $0xFFFFFFF5, v33  }
0x267: {  	v33 =	vbroadcast v33, $0x0;
	_ =	sdelay $0x2  }
0x268: {  	s21 =	sadd.s32 $0x80, s21  }
0x269: {  	s22 =	sadd.s32 $0x0, s11;
	[tilespmem:s21+$0x0] =	vst v32  }
0x26a: {  	v62 =	vmov s22;
	[tilespmem:s21+$0x10] =	vst v32  }
0x26b: {  	v32 =	vand.u32 $0xFFFFFFF6, v62;
	v33 =	vld.idx.msk [tilespmem:v33+s0+$0x0], $0xffff  }
0x26c: {  	v32 =	vbroadcast v32, $0x0;
	_ =	sdelay $0x2  }
0x26d: {  	s21 =	sadd.s32 $0x80, s21  }
0x26e: {  	s23 =	sadd.s32 $0x100, s11;
	[tilespmem:s21+$0x0] =	vst v33  }
0x26f: {  	v63 =	vmov s23;
	[tilespmem:s21+$0x10] =	vst v33  }
0x270: {  	v33 =	vld.idx.msk [tilespmem:v32+s0+$0x0], $0xffff;
	v32 =	vand.u32 $0xFFFFFFF6, v63  }
0x271: {  	v32 =	vbroadcast v32, $0x0;
	_ =	sdelay $0x2  }
0x272: {  	s21 =	simm.s32 $0xA000  }
0x273: {  	[tilespmem:s21+$0x0] =	vst v33  }
0x274: {  	s23 =	sadd.s32 $0x200, s11;
	s22 =	simm.s32 $0x300;
	[tilespmem:s21+$0x10] =	vst v33  }
.LBB2_40:
0x275: {  	p1 =	sne.s32 s22, $0x1F00;
	v33 =	vmov s23;
	v34 =	vld.idx.msk [tilespmem:v32+s0+$0x0], $0xffff  }
0x276: {  	v32 =	vand.u32 $0xFFFFFFF6, v33  }
0x277: {  	v32 =	vbroadcast v32, $0x0  }
.Ltmp22:
0x278: {  	(pc) =	sbr.rel @p1 .LBB2_40-.Ltmp22, $4  }
0x279: {  	_ = 	snop  }
0x27a: {  	s21 =	sadd.s32 $0x80, s21  }
0x27b: {  	[tilespmem:s21+$0x0] =	vst v34  }
0x27c: {  	s23 =	sadd.s32 s11, s22;
	s22 =	sadd.s32 $0x100, s22;
	[tilespmem:s21+$0x10] =	vst v34  }
0x27d: {  	_ =	sdelay $0x2  }
0x27e: {  	v33 =	vmov s23  }
0x27f: {  	v32 =	vld.idx.msk [tilespmem:v32+s0+$0x0], $0xffff;
	v33 =	vand.u32 $0xFFFFFFF6, v33  }
0x280: {  	v33 =	vbroadcast v33, $0x0;
	_ =	sdelay $0x2  }
0x281: {  	s21 =	sadd.s32 $0x80, s21  }
0x282: {  	s22 =	sadd.s32 $0x0, s12;
	[tilespmem:s21+$0x0] =	vst v32  }
0x283: {  	v62 =	vmov s22;
	[tilespmem:s21+$0x10] =	vst v32  }
0x284: {  	v32 =	vand.u32 $0xFFFFFFF7, v62;
	v33 =	vld.idx.msk [tilespmem:v33+s0+$0x0], $0xffff  }
0x285: {  	v32 =	vbroadcast v32, $0x0;
	_ =	sdelay $0x2  }
0x286: {  	s21 =	sadd.s32 $0x80, s21  }
0x287: {  	s23 =	sadd.s32 $0x100, s12;
	[tilespmem:s21+$0x0] =	vst v33  }
0x288: {  	v63 =	vmov s23;
	[tilespmem:s21+$0x10] =	vst v33  }
0x289: {  	v33 =	vld.idx.msk [tilespmem:v32+s0+$0x0], $0xffff;
	v32 =	vand.u32 $0xFFFFFFF7, v63  }
0x28a: {  	v32 =	vbroadcast v32, $0x0;
	_ =	sdelay $0x2  }
0x28b: {  	s21 =	simm.s32 $0xB000  }
0x28c: {  	[tilespmem:s21+$0x0] =	vst v33  }
0x28d: {  	s23 =	sadd.s32 $0x200, s12;
	s22 =	simm.s32 $0x300;
	[tilespmem:s21+$0x10] =	vst v33  }
.LBB2_42:
0x28e: {  	p1 =	sne.s32 s22, $0x1F00;
	v33 =	vmov s23;
	v34 =	vld.idx.msk [tilespmem:v32+s0+$0x0], $0xffff  }
0x28f: {  	v32 =	vand.u32 $0xFFFFFFF7, v33  }
0x290: {  	v32 =	vbroadcast v32, $0x0  }
.Ltmp23:
0x291: {  	(pc) =	sbr.rel @p1 .LBB2_42-.Ltmp23, $4  }
0x292: {  	_ = 	snop  }
0x293: {  	s21 =	sadd.s32 $0x80, s21  }
0x294: {  	[tilespmem:s21+$0x0] =	vst v34  }
0x295: {  	s23 =	sadd.s32 s12, s22;
	s22 =	sadd.s32 $0x100, s22;
	[tilespmem:s21+$0x10] =	vst v34  }
0x296: {  	_ =	sdelay $0x2  }
0x297: {  	v33 =	vmov s23  }
0x298: {  	v32 =	vld.idx.msk [tilespmem:v32+s0+$0x0], $0xffff;
	v33 =	vand.u32 $0xFFFFFFF7, v33  }
0x299: {  	v33 =	vbroadcast v33, $0x0;
	_ =	sdelay $0x2  }
0x29a: {  	s21 =	sadd.s32 $0x80, s21  }
0x29b: {  	s22 =	sadd.s32 $0x0, s13;
	[tilespmem:s21+$0x0] =	vst v32  }
0x29c: {  	v62 =	vmov s22;
	[tilespmem:s21+$0x10] =	vst v32  }
0x29d: {  	v32 =	vand.u32 $0xFFFFFFF8, v62;
	v33 =	vld.idx.msk [tilespmem:v33+s0+$0x0], $0xffff  }
0x29e: {  	v32 =	vbroadcast v32, $0x0;
	_ =	sdelay $0x2  }
0x29f: {  	s21 =	sadd.s32 $0x80, s21  }
0x2a0: {  	s23 =	sadd.s32 $0x100, s13;
	[tilespmem:s21+$0x0] =	vst v33  }
0x2a1: {  	v63 =	vmov s23;
	[tilespmem:s21+$0x10] =	vst v33  }
0x2a2: {  	v33 =	vld.idx.msk [tilespmem:v32+s0+$0x0], $0xffff;
	v32 =	vand.u32 $0xFFFFFFF8, v63  }
0x2a3: {  	v32 =	vbroadcast v32, $0x0;
	_ =	sdelay $0x2  }
0x2a4: {  	s21 =	simm.s32 $0xC000  }
0x2a5: {  	[tilespmem:s21+$0x0] =	vst v33  }
0x2a6: {  	s23 =	sadd.s32 $0x200, s13;
	s22 =	simm.s32 $0x300;
	[tilespmem:s21+$0x10] =	vst v33  }
.LBB2_44:
0x2a7: {  	p1 =	sne.s32 s22, $0x1F00;
	v33 =	vmov s23;
	v34 =	vld.idx.msk [tilespmem:v32+s0+$0x0], $0xffff  }
0x2a8: {  	v32 =	vand.u32 $0xFFFFFFF8, v33  }
0x2a9: {  	v32 =	vbroadcast v32, $0x0  }
.Ltmp24:
0x2aa: {  	(pc) =	sbr.rel @p1 .LBB2_44-.Ltmp24, $4  }
0x2ab: {  	_ = 	snop  }
0x2ac: {  	s21 =	sadd.s32 $0x80, s21  }
0x2ad: {  	[tilespmem:s21+$0x0] =	vst v34  }
0x2ae: {  	s23 =	sadd.s32 s13, s22;
	s22 =	sadd.s32 $0x100, s22;
	[tilespmem:s21+$0x10] =	vst v34  }
0x2af: {  	_ =	sdelay $0x2  }
0x2b0: {  	v33 =	vmov s23  }
0x2b1: {  	v32 =	vld.idx.msk [tilespmem:v32+s0+$0x0], $0xffff;
	v33 =	vand.u32 $0xFFFFFFF8, v33  }
0x2b2: {  	v33 =	vbroadcast v33, $0x0;
	_ =	sdelay $0x2  }
0x2b3: {  	s21 =	sadd.s32 $0x80, s21  }
0x2b4: {  	s22 =	sadd.s32 $0x0, s14;
	[tilespmem:s21+$0x0] =	vst v32  }
0x2b5: {  	v62 =	vmov s22;
	[tilespmem:s21+$0x10] =	vst v32  }
0x2b6: {  	v32 =	vand.u32 $0xFFFFFFF9, v62;
	v33 =	vld.idx.msk [tilespmem:v33+s0+$0x0], $0xffff  }
0x2b7: {  	v32 =	vbroadcast v32, $0x0;
	_ =	sdelay $0x2  }
0x2b8: {  	s21 =	sadd.s32 $0x80, s21  }
0x2b9: {  	s23 =	sadd.s32 $0x100, s14;
	[tilespmem:s21+$0x0] =	vst v33  }
0x2ba: {  	v63 =	vmov s23;
	[tilespmem:s21+$0x10] =	vst v33  }
0x2bb: {  	v33 =	vld.idx.msk [tilespmem:v32+s0+$0x0], $0xffff;
	v32 =	vand.u32 $0xFFFFFFF9, v63  }
0x2bc: {  	v32 =	vbroadcast v32, $0x0;
	_ =	sdelay $0x2  }
0x2bd: {  	s21 =	simm.s32 $0xD000  }
0x2be: {  	[tilespmem:s21+$0x0] =	vst v33  }
0x2bf: {  	s23 =	sadd.s32 $0x200, s14;
	s22 =	simm.s32 $0x300;
	[tilespmem:s21+$0x10] =	vst v33  }
.LBB2_46:
0x2c0: {  	p1 =	sne.s32 s22, $0x1F00;
	v33 =	vmov s23;
	v34 =	vld.idx.msk [tilespmem:v32+s0+$0x0], $0xffff  }
0x2c1: {  	v32 =	vand.u32 $0xFFFFFFF9, v33  }
0x2c2: {  	v32 =	vbroadcast v32, $0x0  }
.Ltmp25:
0x2c3: {  	(pc) =	sbr.rel @p1 .LBB2_46-.Ltmp25, $4  }
0x2c4: {  	_ = 	snop  }
0x2c5: {  	s21 =	sadd.s32 $0x80, s21  }
0x2c6: {  	[tilespmem:s21+$0x0] =	vst v34  }
0x2c7: {  	s23 =	sadd.s32 s14, s22;
	s22 =	sadd.s32 $0x100, s22;
	[tilespmem:s21+$0x10] =	vst v34  }
0x2c8: {  	_ =	sdelay $0x2  }
0x2c9: {  	v33 =	vmov s23  }
0x2ca: {  	v32 =	vld.idx.msk [tilespmem:v32+s0+$0x0], $0xffff;
	v33 =	vand.u32 $0xFFFFFFF9, v33  }
0x2cb: {  	v33 =	vbroadcast v33, $0x0;
	_ =	sdelay $0x2  }
0x2cc: {  	s21 =	sadd.s32 $0x80, s21  }
0x2cd: {  	s22 =	sadd.s32 $0x0, s15;
	[tilespmem:s21+$0x0] =	vst v32  }
0x2ce: {  	v62 =	vmov s22;
	[tilespmem:s21+$0x10] =	vst v32  }
0x2cf: {  	v32 =	vand.u32 $0xFFFFFFFA, v62;
	v33 =	vld.idx.msk [tilespmem:v33+s0+$0x0], $0xffff  }
0x2d0: {  	v32 =	vbroadcast v32, $0x0;
	_ =	sdelay $0x2  }
0x2d1: {  	s21 =	sadd.s32 $0x80, s21  }
0x2d2: {  	s23 =	sadd.s32 $0x100, s15;
	[tilespmem:s21+$0x0] =	vst v33  }
0x2d3: {  	v63 =	vmov s23;
	[tilespmem:s21+$0x10] =	vst v33  }
0x2d4: {  	v33 =	vld.idx.msk [tilespmem:v32+s0+$0x0], $0xffff;
	v32 =	vand.u32 $0xFFFFFFFA, v63  }
0x2d5: {  	v32 =	vbroadcast v32, $0x0;
	_ =	sdelay $0x2  }
0x2d6: {  	s21 =	simm.s32 $0xE000  }
0x2d7: {  	[tilespmem:s21+$0x0] =	vst v33  }
0x2d8: {  	s23 =	sadd.s32 $0x200, s15;
	s22 =	simm.s32 $0x300;
	[tilespmem:s21+$0x10] =	vst v33  }
.LBB2_48:
0x2d9: {  	p1 =	sne.s32 s22, $0x1F00;
	v33 =	vmov s23;
	v34 =	vld.idx.msk [tilespmem:v32+s0+$0x0], $0xffff  }
0x2da: {  	v32 =	vand.u32 $0xFFFFFFFA, v33  }
0x2db: {  	v32 =	vbroadcast v32, $0x0  }
.Ltmp26:
0x2dc: {  	(pc) =	sbr.rel @p1 .LBB2_48-.Ltmp26, $4  }
0x2dd: {  	_ = 	snop  }
0x2de: {  	s21 =	sadd.s32 $0x80, s21  }
0x2df: {  	[tilespmem:s21+$0x0] =	vst v34  }
0x2e0: {  	s23 =	sadd.s32 s15, s22;
	s22 =	sadd.s32 $0x100, s22;
	[tilespmem:s21+$0x10] =	vst v34  }
0x2e1: {  	_ =	sdelay $0x2  }
0x2e2: {  	v33 =	vmov s23  }
0x2e3: {  	v32 =	vld.idx.msk [tilespmem:v32+s0+$0x0], $0xffff;
	v33 =	vand.u32 $0xFFFFFFFA, v33  }
0x2e4: {  	v33 =	vbroadcast v33, $0x0;
	_ =	sdelay $0x2  }
0x2e5: {  	s21 =	sadd.s32 $0x80, s21  }
0x2e6: {  	s22 =	sadd.s32 $0x0, s16;
	[tilespmem:s21+$0x0] =	vst v32  }
0x2e7: {  	v62 =	vmov s22;
	[tilespmem:s21+$0x10] =	vst v32  }
0x2e8: {  	v32 =	vand.u32 $0xFFFFFFFB, v62;
	v33 =	vld.idx.msk [tilespmem:v33+s0+$0x0], $0xffff  }
0x2e9: {  	v32 =	vbroadcast v32, $0x0;
	_ =	sdelay $0x2  }
0x2ea: {  	s21 =	sadd.s32 $0x80, s21  }
0x2eb: {  	s23 =	sadd.s32 $0x100, s16;
	[tilespmem:s21+$0x0] =	vst v33  }
0x2ec: {  	v63 =	vmov s23;
	[tilespmem:s21+$0x10] =	vst v33  }
0x2ed: {  	v33 =	vld.idx.msk [tilespmem:v32+s0+$0x0], $0xffff;
	v32 =	vand.u32 $0xFFFFFFFB, v63  }
0x2ee: {  	v32 =	vbroadcast v32, $0x0;
	_ =	sdelay $0x2  }
0x2ef: {  	s21 =	simm.s32 $0xF000  }
0x2f0: {  	[tilespmem:s21+$0x0] =	vst v33  }
0x2f1: {  	s23 =	sadd.s32 $0x200, s16;
	s22 =	simm.s32 $0x300;
	[tilespmem:s21+$0x10] =	vst v33  }
.LBB2_50:
0x2f2: {  	p1 =	sne.s32 s22, $0x1F00;
	v33 =	vmov s23;
	v34 =	vld.idx.msk [tilespmem:v32+s0+$0x0], $0xffff  }
0x2f3: {  	v32 =	vand.u32 $0xFFFFFFFB, v33  }
0x2f4: {  	v32 =	vbroadcast v32, $0x0  }
.Ltmp27:
0x2f5: {  	(pc) =	sbr.rel @p1 .LBB2_50-.Ltmp27, $4  }
0x2f6: {  	_ = 	snop  }
0x2f7: {  	s21 =	sadd.s32 $0x80, s21  }
0x2f8: {  	[tilespmem:s21+$0x0] =	vst v34  }
0x2f9: {  	s23 =	sadd.s32 s16, s22;
	s22 =	sadd.s32 $0x100, s22;
	[tilespmem:s21+$0x10] =	vst v34  }
0x2fa: {  	_ =	sdelay $0x2  }
0x2fb: {  	v33 =	vmov s23  }
0x2fc: {  	v32 =	vld.idx.msk [tilespmem:v32+s0+$0x0], $0xffff;
	v33 =	vand.u32 $0xFFFFFFFB, v33  }
0x2fd: {  	v33 =	vbroadcast v33, $0x0;
	_ =	sdelay $0x2  }
0x2fe: {  	s21 =	sadd.s32 $0x80, s21  }
0x2ff: {  	s22 =	sadd.s32 $0x0, s17;
	[tilespmem:s21+$0x0] =	vst v32  }
0x300: {  	v62 =	vmov s22;
	[tilespmem:s21+$0x10] =	vst v32  }
0x301: {  	v32 =	vand.u32 $0xFFFFFFFC, v62;
	v33 =	vld.idx.msk [tilespmem:v33+s0+$0x0], $0xffff  }
0x302: {  	v32 =	vbroadcast v32, $0x0;
	_ =	sdelay $0x2  }
0x303: {  	s21 =	sadd.s32 $0x80, s21  }
0x304: {  	s23 =	sadd.s32 $0x100, s17;
	[tilespmem:s21+$0x0] =	vst v33  }
0x305: {  	v63 =	vmov s23;
	[tilespmem:s21+$0x10] =	vst v33  }
0x306: {  	v33 =	vld.idx.msk [tilespmem:v32+s0+$0x0], $0xffff;
	v32 =	vand.u32 $0xFFFFFFFC, v63  }
0x307: {  	v32 =	vbroadcast v32, $0x0;
	_ =	sdelay $0x2  }
0x308: {  	s21 =	simm.s32 $0x10000  }
0x309: {  	[tilespmem:s21+$0x0] =	vst v33  }
0x30a: {  	s23 =	sadd.s32 $0x200, s17;
	s22 =	simm.s32 $0x300;
	[tilespmem:s21+$0x10] =	vst v33  }
.LBB2_52:
0x30b: {  	p1 =	sne.s32 s22, $0x1F00;
	v33 =	vmov s23;
	v34 =	vld.idx.msk [tilespmem:v32+s0+$0x0], $0xffff  }
0x30c: {  	v32 =	vand.u32 $0xFFFFFFFC, v33  }
0x30d: {  	v32 =	vbroadcast v32, $0x0  }
.Ltmp28:
0x30e: {  	(pc) =	sbr.rel @p1 .LBB2_52-.Ltmp28, $4  }
0x30f: {  	_ = 	snop  }
0x310: {  	s21 =	sadd.s32 $0x80, s21  }
0x311: {  	[tilespmem:s21+$0x0] =	vst v34  }
0x312: {  	s23 =	sadd.s32 s17, s22;
	s22 =	sadd.s32 $0x100, s22;
	[tilespmem:s21+$0x10] =	vst v34  }
0x313: {  	_ =	sdelay $0x2  }
0x314: {  	v33 =	vmov s23  }
0x315: {  	v32 =	vld.idx.msk [tilespmem:v32+s0+$0x0], $0xffff;
	v33 =	vand.u32 $0xFFFFFFFC, v33  }
0x316: {  	v33 =	vbroadcast v33, $0x0;
	_ =	sdelay $0x2  }
0x317: {  	s21 =	sadd.s32 $0x80, s21  }
0x318: {  	s22 =	sadd.s32 $0x0, s18;
	[tilespmem:s21+$0x0] =	vst v32  }
0x319: {  	v62 =	vmov s22;
	[tilespmem:s21+$0x10] =	vst v32  }
0x31a: {  	v32 =	vand.u32 $0xFFFFFFFD, v62;
	v33 =	vld.idx.msk [tilespmem:v33+s0+$0x0], $0xffff  }
0x31b: {  	v32 =	vbroadcast v32, $0x0;
	_ =	sdelay $0x2  }
0x31c: {  	s21 =	sadd.s32 $0x80, s21  }
0x31d: {  	s23 =	sadd.s32 $0x100, s18;
	[tilespmem:s21+$0x0] =	vst v33  }
0x31e: {  	v63 =	vmov s23;
	[tilespmem:s21+$0x10] =	vst v33  }
0x31f: {  	v33 =	vld.idx.msk [tilespmem:v32+s0+$0x0], $0xffff;
	v32 =	vand.u32 $0xFFFFFFFD, v63  }
0x320: {  	v32 =	vbroadcast v32, $0x0;
	_ =	sdelay $0x2  }
0x321: {  	s21 =	simm.s32 $0x11000  }
0x322: {  	[tilespmem:s21+$0x0] =	vst v33  }
0x323: {  	s23 =	sadd.s32 $0x200, s18;
	s22 =	simm.s32 $0x300;
	[tilespmem:s21+$0x10] =	vst v33  }
.LBB2_54:
0x324: {  	p1 =	sne.s32 s22, $0x1F00;
	v33 =	vmov s23;
	v34 =	vld.idx.msk [tilespmem:v32+s0+$0x0], $0xffff  }
0x325: {  	v32 =	vand.u32 $0xFFFFFFFD, v33  }
0x326: {  	v32 =	vbroadcast v32, $0x0  }
.Ltmp29:
0x327: {  	(pc) =	sbr.rel @p1 .LBB2_54-.Ltmp29, $4  }
0x328: {  	_ = 	snop  }
0x329: {  	s21 =	sadd.s32 $0x80, s21  }
0x32a: {  	[tilespmem:s21+$0x0] =	vst v34  }
0x32b: {  	s23 =	sadd.s32 s18, s22;
	s22 =	sadd.s32 $0x100, s22;
	[tilespmem:s21+$0x10] =	vst v34  }
0x32c: {  	_ =	sdelay $0x2  }
0x32d: {  	v33 =	vmov s23  }
0x32e: {  	v32 =	vld.idx.msk [tilespmem:v32+s0+$0x0], $0xffff;
	v33 =	vand.u32 $0xFFFFFFFD, v33  }
0x32f: {  	v33 =	vbroadcast v33, $0x0;
	_ =	sdelay $0x2  }
0x330: {  	s21 =	sadd.s32 $0x80, s21  }
0x331: {  	s22 =	sadd.s32 $0x0, s19;
	[tilespmem:s21+$0x0] =	vst v32  }
0x332: {  	v62 =	vmov s22;
	[tilespmem:s21+$0x10] =	vst v32  }
0x333: {  	v32 =	vand.u32 $0xFFFFFFFE, v62;
	v33 =	vld.idx.msk [tilespmem:v33+s0+$0x0], $0xffff  }
0x334: {  	v32 =	vbroadcast v32, $0x0;
	_ =	sdelay $0x2  }
0x335: {  	s21 =	sadd.s32 $0x80, s21  }
0x336: {  	s23 =	sadd.s32 $0x100, s19;
	[tilespmem:s21+$0x0] =	vst v33  }
0x337: {  	v63 =	vmov s23;
	[tilespmem:s21+$0x10] =	vst v33  }
0x338: {  	v33 =	vld.idx.msk [tilespmem:v32+s0+$0x0], $0xffff;
	v32 =	vand.u32 $0xFFFFFFFE, v63  }
0x339: {  	v32 =	vbroadcast v32, $0x0;
	_ =	sdelay $0x2  }
0x33a: {  	s21 =	simm.s32 $0x12000  }
0x33b: {  	[tilespmem:s21+$0x0] =	vst v33  }
0x33c: {  	s23 =	sadd.s32 $0x200, s19;
	s22 =	simm.s32 $0x300;
	[tilespmem:s21+$0x10] =	vst v33  }
.LBB2_56:
0x33d: {  	p1 =	sne.s32 s22, $0x1F00;
	v33 =	vmov s23;
	v34 =	vld.idx.msk [tilespmem:v32+s0+$0x0], $0xffff  }
0x33e: {  	v32 =	vand.u32 $0xFFFFFFFE, v33  }
0x33f: {  	v32 =	vbroadcast v32, $0x0  }
.Ltmp30:
0x340: {  	(pc) =	sbr.rel @p1 .LBB2_56-.Ltmp30, $4  }
0x341: {  	_ = 	snop  }
0x342: {  	s21 =	sadd.s32 $0x80, s21  }
0x343: {  	[tilespmem:s21+$0x0] =	vst v34  }
0x344: {  	s23 =	sadd.s32 s19, s22;
	s22 =	sadd.s32 $0x100, s22;
	[tilespmem:s21+$0x10] =	vst v34  }
0x345: {  	_ =	sdelay $0x2  }
0x346: {  	v33 =	vmov s23  }
0x347: {  	v32 =	vld.idx.msk [tilespmem:v32+s0+$0x0], $0xffff;
	v33 =	vand.u32 $0xFFFFFFFE, v33  }
0x348: {  	v33 =	vbroadcast v33, $0x0;
	_ =	sdelay $0x2  }
0x349: {  	s21 =	sadd.s32 $0x80, s21  }
0x34a: {  	[tilespmem:s21+$0x0] =	vst v32  }
0x34b: {  	[tilespmem:s21+$0x10] =	vst v32  }
0x34c: {  	v32 =	vld.idx.msk [tilespmem:v33+s0+$0x0], $0xffff  }
0x34d: {  	s22 =	sadd.s32 $0x0, s20  }
0x34e: {  	v62 =	vmov s22;
	_ =	sdelay $0x1  }
0x34f: {  	s21 =	sadd.s32 $0x80, s21  }
0x350: {  	[tilespmem:s21+$0x0] =	vst v32  }
0x351: {  	[tilespmem:s21+$0x10] =	vst v32  }
0x352: {  	v32 =	vld.idx.msk [tilespmem:v62+s0+$0x0], $0xffff  }
0x353: {  	s23 =	sadd.s32 $0x100, s20  }
0x354: {  	v63 =	vmov s23;
	_ =	sdelay $0x1  }
0x355: {  	s21 =	simm.s32 $0x13000  }
0x356: {  	[tilespmem:s21+$0x0] =	vst v32  }
0x357: {  	[tilespmem:s21+$0x10] =	vst v32  }
0x358: {  	v32 =	vld.idx.msk [tilespmem:v63+s0+$0x0], $0xffff  }
0x359: {  	s23 =	sadd.s32 $0x200, s20;
	s22 =	simm.s32 $0x300  }
.LBB2_58:
0x35a: {  	p1 =	sne.s32 s22, $0x1F00;
	v33 =	vmov s23;
	_ =	sdelay $0x1  }
0x35b: {  	s21 =	sadd.s32 $0x80, s21  }
.Ltmp31:
0x35c: {  	[tilespmem:s21+$0x0] =	vst v32;
	(pc) =	sbr.rel @p1 .LBB2_58-.Ltmp31, $3  }
0x35d: {  	[tilespmem:s21+$0x10] =	vst v32  }
0x35e: {  	v32 =	vld.idx.msk [tilespmem:v33+s0+$0x0], $0xffff;
	_ =	sdelay $0x1  }
0x35f: {  	s23 =	sadd.s32 s20, s22;
	s22 =	sadd.s32 $0x100, s22  }
.Ltmp32:
0x360: {  	_ = 	snop;
	(pc) =	sbr.rel .LBB2_59-.Ltmp32, $1  }
0x361: {  	_ =	sdelay $0x3  }
.LBB2_61:
0x362: {  	_ =	sfence.sel $0x180000  }
0x363: {  	[bflag:$0x0] =	sbarrier.arrive $0xFFFF  }
0x364: {  	_ =	strace $0x90000047  }
0x365: {  	s0 =	stileid.u32;
	[bflag:$0x2] =	sbarrier.arrive $0xFFFF  }
0x366: {  	p0 =	sne.s32 s0, $0x0;
	s0 =	rddreg [dreg:$0x2]  }
0x367: {  	s0 =	sadd.s32 @!p0 $0x100000, s0  }
0x368: {  	[sflag:s0] =	ssyncadd.tile.s32 @!p0 $0x1;
	_ =	shalt  }
.Lfunc_end2:
_tile_overlayer_lowered:
.L_overlay_start_2:
0x369: {  	(tag) =	ssettag $0x2  }
0x36a: {  	s0 =	rddreg [dreg:$0x0];
	s2 =	stileid.u32  }
0x36b: {  	s1 =	rddreg [dreg:$0x1];
	p0 =	sne.s32 s2, $0x0  }
0x36c: {  	s3 =	rddreg [dreg:$0x2];
	[bflag:$0x3] =	sbarrier.arrive $0xFFFF;
	s2 =	simm.s32 @!p0 $0x1C02  }
0x36d: {  	[timem:s3], [sflag:s2] =	dma.local @!p0 [hbm:s0], s1  }
0x36e: {  	s0 =	simm.s32 @!p0 $0x2  }
0x36f: {  	_ =	swait.ge @!p0 [sflag:s0], s1  }
0x370: {  	s1 =	ssub.s32 @!p0 $0x0, s1;
	[sflag:s0] =	ssyncset.done @!p0 $0x0  }
0x371: {  	[sflag:s0] =	ssyncadd.s32 @!p0 s1  }
0x372: {  	[bflag:$0x3] =	sbarrier.arrive $0xFFFF  }
0x373: {  	_ =	shalt  }

</sc_bundles>
